<compile_context>
chip_gen: v7x
topology: tpu7x:2x2x1
jax: 0.10.2.dev20260603
libtpu: 0.0.44.dev20260713+nightly
codegen_flags: <defaults>
</compile_context>

<pallas_src>
import functools

import jax
import jax.numpy as jnp
from jax import lax
from jax.experimental import pallas as pl
from jax.experimental.pallas import tpu as pltpu
from jax.experimental.pallas import tpu_sc as plsc

_INFO = plsc.get_sparse_core_info()
_NC, _NS, _L = _INFO.num_cores, _INFO.num_subcores, _INFO.num_lanes
_NW = _NC * _NS


@functools.partial(jax.jit, static_argnums=(2, 3))
def _sc_gather(table, fwd_flat, n_rows, c):
    rows_per_w = n_rows // _NW
    n_chunks = 18
    n_buf = 6
    chunk = rows_per_w // n_chunks
    b_cols = 64

    mesh = plsc.VectorSubcoreMesh(core_axis_name="c", subcore_axis_name="s")

    @functools.partial(
        pl.kernel,
        out_type=jax.ShapeDtypeStruct((n_rows, c), jnp.float32),
        mesh=mesh,
        scratch_types=[
            pltpu.VMEM((rows_per_w,), jnp.int32),
            pltpu.VMEM((rows_per_w,), jnp.int32),
            pltpu.VMEM((n_buf, chunk, c), jnp.float32),
            pltpu.SemaphoreType.DMA,
            pltpu.SemaphoreType.DMA,
            pltpu.SemaphoreType.DMA,
            pltpu.SemaphoreType.DMA,
        ],
    )
    def body(table_hbm, fwd_hbm, out_hbm, fwd_v, idx_v, rows_v,
             gs0, gs1, os0, os1):
        wid = lax.axis_index("s") * _NC + lax.axis_index("c")
        base = wid * rows_per_w
        pltpu.sync_copy(fwd_hbm.at[pl.ds(base, rows_per_w)], fwd_v)
        lane = lax.broadcasted_iota(jnp.int32, (_L,), 0)
        for j in range(rows_per_w // _L):
            pos = base + j * _L
            col = lax.rem(pos + lane, b_cols)
            idx_v[pl.ds(j * _L, _L)] = fwd_v[pl.ds(j * _L, _L)] * b_cols + col

        gsem, osem = (gs0, gs1), (os0, os1)

        def gather(ci):
            b = ci % n_buf
            return pltpu.async_copy(
                table_hbm.at[idx_v.at[pl.ds(ci * chunk, chunk)]],
                rows_v.at[b], gsem[b % len(gsem)])

        def put(ci):
            b = ci % n_buf
            return pltpu.async_copy(
                rows_v.at[b], out_hbm.at[pl.ds(base + ci * chunk, chunk)],
                osem[b % len(osem)])

        gh = [gather(k) for k in range(n_buf)]
        oh = [None] * n_chunks
        for ci in range(n_chunks):
            gh[ci % n_buf].wait()
            oh[ci] = put(ci)
            nxt = ci + n_buf - 1
            if ci >= 1 and nxt < n_chunks:
                oh[nxt - n_buf].wait()
                gh[nxt % n_buf] = gather(nxt)
        for ci in range(n_chunks - n_buf, n_chunks):
            oh[ci].wait()

    return body(table, fwd_flat)


def kernel(patches, forward_indexes, backward_indexes):
    t, b, c = patches.shape
    remain_t = t // 4
    table = patches.reshape(t * b, c)
    fwd_flat = forward_indexes.astype(jnp.int32).reshape(-1)
    kept = _sc_gather(table, fwd_flat, remain_t * b, c).reshape(remain_t, b, c)
    return (kept, forward_indexes, backward_indexes)

# --- scband reference (transcript-rebuilt; emitter-appended) ---
"""Pipeline reference for scband-patch-shuffle-40793599377627 (READ-ONLY COPY).

The authoritative reference and input builder live on the scoring server;
editing this copy changes nothing except your own understanding.
"""

import jax, jax.numpy as jnp
import numpy as np

T, B, C = 576, 64, 768
RATIO = 0.75

def setup_inputs(seed: int = 0) -> dict:
    key = jax.random.key(seed)
    k1, k2 = jax.random.split(key)
    patches = jax.random.normal(k1, (T, B, C), dtype=jnp.float32)
    # per-batch-column random permutations of [0, T), as in random_indexes()
    rnd = jax.random.uniform(k2, (T, B))
    forward_indexes = jnp.argsort(rnd, axis=0).astype(jnp.int64)
    backward_indexes = jnp.argsort(forward_indexes, axis=0).astype(jnp.int64)
    return {"patches": patches, "forward_indexes": forward_indexes, "backward_indexes": backward_indexes}

def take_indexes(sequences, indexes):
    # torch.gather(sequences, 0, repeat(indexes, 't b -> t b c'))
    t, b, c = sequences.shape
    idx = jnp.broadcast_to(indexes[:, :, None], (indexes.shape[0], b, c))
    return jnp.take_along_axis(sequences, idx, axis=0)

def reference(patches, forward_indexes, backward_indexes):
    t, b, c = patches.shape
    remain_T = int(t * (1 - RATIO))  # deterministic branch of the random +12 choice
    shuffled = take_indexes(patches, forward_indexes)
    kept = shuffled[:remain_T]
    return (kept, forward_indexes, backward_indexes)

if __name__ == "__main__":
    import jax
    _d = setup_inputs()
    print(jax.jit(kernel)(*tuple(_d.values())))

</pallas_src>

<mosaic_0001>
#map = affine_map<(d0, d1) -> (0, 0)>
#map1 = affine_map<(d0, d1) -> (0)>
module attributes {stable_mosaic.version = 14 : i64} {
  func.func @body(%arg0: i32, %arg1: i32, %arg2: memref<36864x768xf32, #tpu.memory_space<hbm>>, %arg3: memref<36864xi32, #tpu.memory_space<hbm>>, %arg4: memref<9216x768xf32, #tpu.memory_space<hbm>>, %arg5: memref<288xi32, #tpu.memory_space<vmem>>, %arg6: memref<288xi32, #tpu.memory_space<vmem>>, %arg7: memref<6x16x768xf32, #tpu.memory_space<vmem>>, %arg8: memref<!tpu.dma_semaphore, #tpu.memory_space<semaphore_mem>>, %arg9: memref<!tpu.dma_semaphore, #tpu.memory_space<semaphore_mem>>, %arg10: memref<!tpu.dma_semaphore, #tpu.memory_space<semaphore_mem>>, %arg11: memref<!tpu.dma_semaphore, #tpu.memory_space<semaphore_mem>>) attributes {dimension_semantics = [#tpu.dimension_semantics<core_parallel>, #tpu.dimension_semantics<subcore_parallel>], iteration_bounds = array<i64: 2, 16>, scalar_prefetch = 0 : i64, scratch_operands = 7 : i64, tpu.core_type = #tpu.core_type<sc_vector_subcore>, window_params = [{transform_indices = #map}, {transform_indices = #map1}, {transform_indices = #map}]} {
    %mul3A = arith.constant 2 : i32
    %mul3A_0 = arith.muli %arg1, %mul3A : i32
    %add3A = arith.addi %mul3A_0, %arg0 : i32
    %mul3A_1 = arith.constant 288 : i32
    %mul3A_2 = arith.muli %add3A, %mul3A_1 : i32
    "tpu.region"() ({
      %run_scoped3A = tpu.sem_alloc : memref<!tpu.dma_semaphore, #tpu.memory_space<semaphore_mem>>
      %dma_start3A_1186 = tpu.memref_slice %arg3[%mul3A_2] : memref<36864xi32, #tpu.memory_space<hbm>> -> memref<288xi32, #tpu.memory_space<hbm>>
      %dma_start3A_1187 = tpu.memref_slice %arg3[%mul3A_2] : memref<36864xi32, #tpu.memory_space<hbm>> -> memref<288xi32, #tpu.memory_space<hbm>>
      tpu.enqueue_dma source(%dma_start3A_1187 : memref<288xi32, #tpu.memory_space<hbm>>) target(%arg5 : memref<288xi32, #tpu.memory_space<vmem>>) target_semaphore(%run_scoped3A : memref<!tpu.dma_semaphore, #tpu.memory_space<semaphore_mem>>)
      %dma_wait3A_1188 = tpu.memref_slice %arg3[%mul3A_2] : memref<36864xi32, #tpu.memory_space<hbm>> -> memref<288xi32, #tpu.memory_space<hbm>>
      %dma_wait3A_1189 = tpu.memref_slice %arg3[%mul3A_2] : memref<36864xi32, #tpu.memory_space<hbm>> -> memref<288xi32, #tpu.memory_space<hbm>>
      tpu.wait_dma2 semaphore(%run_scoped3A : memref<!tpu.dma_semaphore, #tpu.memory_space<semaphore_mem>>) src(%dma_wait3A_1189 : memref<288xi32, #tpu.memory_space<hbm>>) dst(%arg5 : memref<288xi32, #tpu.memory_space<vmem>>)
      tpu.yield
    }) : () -> ()
    %iota3A = tpu.iota {dimensions = array<i32: 0>} : vector<16xi32>
    %add3A_3 = arith.constant 0 : i32
    %add3A_4 = arith.addi %mul3A_2, %add3A_3 : i32
    %add3A_5 = vector.broadcast %add3A_4 : i32 to vector<16xi32>
    %add3A_6 = arith.addi %add3A_5, %iota3A : vector<16xi32>
    %rem3A = arith.constant 64 : i32
    %rem3A_7 = vector.broadcast %rem3A : i32 to vector<16xi32>
    %rem3A_8 = arith.remsi %add3A_6, %rem3A_7 : vector<16xi32>
    %get3A = arith.constant 0 : index
    %get3A_9 = tpu.vector_load %arg5[%get3A] {strides = array<i32>} : memref<288xi32, #tpu.memory_space<vmem>>, vector<16xi32>,
    %get3A_10 = vector.shape_cast %get3A_9 : vector<16xi32> to vector<16xi32>
    %mul3A_11 = arith.constant 64 : i32
    %mul3A_12 = vector.broadcast %mul3A_11 : i32 to vector<16xi32>
    %mul3A_13 = arith.muli %get3A_10, %mul3A_12 : vector<16xi32>
    %add3A_14 = arith.addi %mul3A_13, %rem3A_8 : vector<16xi32>
    %swap3A = arith.constant 0 : index
    %swap3A_15 = tpu.vector_load %arg6[%swap3A] {strides = array<i32>} : memref<288xi32, #tpu.memory_space<vmem>>, vector<16xi32>,
    %swap3A_16 = vector.shape_cast %swap3A_15 : vector<16xi32> to vector<16xi32>
    %swap3A_17 = vector.shape_cast %add3A_14 : vector<16xi32> to vector<16xi32>
    tpu.vector_store %arg6[%swap3A], %swap3A_17 {strides = array<i32>} : memref<288xi32, #tpu.memory_space<vmem>>, vector<16xi32>,
    %add3A_18 = arith.constant 16 : i32
    %add3A_19 = arith.addi %mul3A_2, %add3A_18 : i32
    %add3A_20 = vector.broadcast %add3A_19 : i32 to vector<16xi32>
    %add3A_21 = arith.addi %add3A_20, %iota3A : vector<16xi32>
    %rem3A_22 = arith.constant 64 : i32
    %rem3A_23 = vector.broadcast %rem3A_22 : i32 to vector<16xi32>
    %rem3A_24 = arith.remsi %add3A_21, %rem3A_23 : vector<16xi32>
    %get3A_25 = arith.constant 16 : index
    %get3A_26 = tpu.vector_load %arg5[%get3A_25] {strides = array<i32>} : memref<288xi32, #tpu.memory_space<vmem>>, vector<16xi32>,
    %get3A_27 = vector.shape_cast %get3A_26 : vector<16xi32> to vector<16xi32>
    %mul3A_28 = arith.constant 64 : i32
    %mul3A_29 = vector.broadcast %mul3A_28 : i32 to vector<16xi32>
    %mul3A_30 = arith.muli %get3A_27, %mul3A_29 : vector<16xi32>
    %add3A_31 = arith.addi %mul3A_30, %rem3A_24 : vector<16xi32>
    %swap3A_32 = arith.constant 16 : index
    %swap3A_33 = tpu.vector_load %arg6[%swap3A_32] {strides = array<i32>} : memref<288xi32, #tpu.memory_space<vmem>>, vector<16xi32>,
    %swap3A_34 = vector.shape_cast %swap3A_33 : vector<16xi32> to vector<16xi32>
    %swap3A_35 = vector.shape_cast %add3A_31 : vector<16xi32> to vector<16xi32>
    tpu.vector_store %arg6[%swap3A_32], %swap3A_35 {strides = array<i32>} : memref<288xi32, #tpu.memory_space<vmem>>, vector<16xi32>,
    %add3A_36 = arith.constant 32 : i32
    %add3A_37 = arith.addi %mul3A_2, %add3A_36 : i32
    %add3A_38 = vector.broadcast %add3A_37 : i32 to vector<16xi32>
    %add3A_39 = arith.addi %add3A_38, %iota3A : vector<16xi32>
    %rem3A_40 = arith.constant 64 : i32
    %rem3A_41 = vector.broadcast %rem3A_40 : i32 to vector<16xi32>
    %rem3A_42 = arith.remsi %add3A_39, %rem3A_41 : vector<16xi32>
    %get3A_43 = arith.constant 32 : index
    %get3A_44 = tpu.vector_load %arg5[%get3A_43] {strides = array<i32>} : memref<288xi32, #tpu.memory_space<vmem>>, vector<16xi32>,
    %get3A_45 = vector.shape_cast %get3A_44 : vector<16xi32> to vector<16xi32>
    %mul3A_46 = arith.constant 64 : i32
    %mul3A_47 = vector.broadcast %mul3A_46 : i32 to vector<16xi32>
    %mul3A_48 = arith.muli %get3A_45, %mul3A_47 : vector<16xi32>
    %add3A_49 = arith.addi %mul3A_48, %rem3A_42 : vector<16xi32>
    %swap3A_50 = arith.constant 32 : index
    %swap3A_51 = tpu.vector_load %arg6[%swap3A_50] {strides = array<i32>} : memref<288xi32, #tpu.memory_space<vmem>>, vector<16xi32>,
    %swap3A_52 = vector.shape_cast %swap3A_51 : vector<16xi32> to vector<16xi32>
    %swap3A_53 = vector.shape_cast %add3A_49 : vector<16xi32> to vector<16xi32>
    tpu.vector_store %arg6[%swap3A_50], %swap3A_53 {strides = array<i32>} : memref<288xi32, #tpu.memory_space<vmem>>, vector<16xi32>,
    %add3A_54 = arith.constant 48 : i32
    %add3A_55 = arith.addi %mul3A_2, %add3A_54 : i32
    %add3A_56 = vector.broadcast %add3A_55 : i32 to vector<16xi32>
    %add3A_57 = arith.addi %add3A_56, %iota3A : vector<16xi32>
    %rem3A_58 = arith.constant 64 : i32
    %rem3A_59 = vector.broadcast %rem3A_58 : i32 to vector<16xi32>
    %rem3A_60 = arith.remsi %add3A_57, %rem3A_59 : vector<16xi32>
    %get3A_61 = arith.constant 48 : index
    %get3A_62 = tpu.vector_load %arg5[%get3A_61] {strides = array<i32>} : memref<288xi32, #tpu.memory_space<vmem>>, vector<16xi32>,
    %get3A_63 = vector.shape_cast %get3A_62 : vector<16xi32> to vector<16xi32>
    %mul3A_64 = arith.constant 64 : i32
    %mul3A_65 = vector.broadcast %mul3A_64 : i32 to vector<16xi32>
    %mul3A_66 = arith.muli %get3A_63, %mul3A_65 : vector<16xi32>
    %add3A_67 = arith.addi %mul3A_66, %rem3A_60 : vector<16xi32>
    %swap3A_68 = arith.constant 48 : index
    %swap3A_69 = tpu.vector_load %arg6[%swap3A_68] {strides = array<i32>} : memref<288xi32, #tpu.memory_space<vmem>>, vector<16xi32>,
    %swap3A_70 = vector.shape_cast %swap3A_69 : vector<16xi32> to vector<16xi32>
    %swap3A_71 = vector.shape_cast %add3A_67 : vector<16xi32> to vector<16xi32>
    tpu.vector_store %arg6[%swap3A_68], %swap3A_71 {strides = array<i32>} : memref<288xi32, #tpu.memory_space<vmem>>, vector<16xi32>,
    %add3A_72 = arith.constant 64 : i32
    %add3A_73 = arith.addi %mul3A_2, %add3A_72 : i32
    %add3A_74 = vector.broadcast %add3A_73 : i32 to vector<16xi32>
    %add3A_75 = arith.addi %add3A_74, %iota3A : vector<16xi32>
    %rem3A_76 = arith.constant 64 : i32
    %rem3A_77 = vector.broadcast %rem3A_76 : i32 to vector<16xi32>
    %rem3A_78 = arith.remsi %add3A_75, %rem3A_77 : vector<16xi32>
    %get3A_79 = arith.constant 64 : index
    %get3A_80 = tpu.vector_load %arg5[%get3A_79] {strides = array<i32>} : memref<288xi32, #tpu.memory_space<vmem>>, vector<16xi32>,
    %get3A_81 = vector.shape_cast %get3A_80 : vector<16xi32> to vector<16xi32>
    %mul3A_82 = arith.constant 64 : i32
    %mul3A_83 = vector.broadcast %mul3A_82 : i32 to vector<16xi32>
    %mul3A_84 = arith.muli %get3A_81, %mul3A_83 : vector<16xi32>
    %add3A_85 = arith.addi %mul3A_84, %rem3A_78 : vector<16xi32>
    %swap3A_86 = arith.constant 64 : index
    %swap3A_87 = tpu.vector_load %arg6[%swap3A_86] {strides = array<i32>} : memref<288xi32, #tpu.memory_space<vmem>>, vector<16xi32>,
    %swap3A_88 = vector.shape_cast %swap3A_87 : vector<16xi32> to vector<16xi32>
    %swap3A_89 = vector.shape_cast %add3A_85 : vector<16xi32> to vector<16xi32>
    tpu.vector_store %arg6[%swap3A_86], %swap3A_89 {strides = array<i32>} : memref<288xi32, #tpu.memory_space<vmem>>, vector<16xi32>,
    %add3A_90 = arith.constant 80 : i32
    %add3A_91 = arith.addi %mul3A_2, %add3A_90 : i32
    %add3A_92 = vector.broadcast %add3A_91 : i32 to vector<16xi32>
    %add3A_93 = arith.addi %add3A_92, %iota3A : vector<16xi32>
    %rem3A_94 = arith.constant 64 : i32
    %rem3A_95 = vector.broadcast %rem3A_94 : i32 to vector<16xi32>
    %rem3A_96 = arith.remsi %add3A_93, %rem3A_95 : vector<16xi32>
    %get3A_97 = arith.constant 80 : index
    %get3A_98 = tpu.vector_load %arg5[%get3A_97] {strides = array<i32>} : memref<288xi32, #tpu.memory_space<vmem>>, vector<16xi32>,
    %get3A_99 = vector.shape_cast %get3A_98 : vector<16xi32> to vector<16xi32>
    %mul3A_100 = arith.constant 64 : i32
    %mul3A_101 = vector.broadcast %mul3A_100 : i32 to vector<16xi32>
    %mul3A_102 = arith.muli %get3A_99, %mul3A_101 : vector<16xi32>
    %add3A_103 = arith.addi %mul3A_102, %rem3A_96 : vector<16xi32>
    %swap3A_104 = arith.constant 80 : index
    %swap3A_105 = tpu.vector_load %arg6[%swap3A_104] {strides = array<i32>} : memref<288xi32, #tpu.memory_space<vmem>>, vector<16xi32>,
    %swap3A_106 = vector.shape_cast %swap3A_105 : vector<16xi32> to vector<16xi32>
    %swap3A_107 = vector.shape_cast %add3A_103 : vector<16xi32> to vector<16xi32>
    tpu.vector_store %arg6[%swap3A_104], %swap3A_107 {strides = array<i32>} : memref<288xi32, #tpu.memory_space<vmem>>, vector<16xi32>,
    %add3A_108 = arith.constant 96 : i32
    %add3A_109 = arith.addi %mul3A_2, %add3A_108 : i32
    %add3A_110 = vector.broadcast %add3A_109 : i32 to vector<16xi32>
    %add3A_111 = arith.addi %add3A_110, %iota3A : vector<16xi32>
    %rem3A_112 = arith.constant 64 : i32
    %rem3A_113 = vector.broadcast %rem3A_112 : i32 to vector<16xi32>
    %rem3A_114 = arith.remsi %add3A_111, %rem3A_113 : vector<16xi32>
    %get3A_115 = arith.constant 96 : index
    %get3A_116 = tpu.vector_load %arg5[%get3A_115] {strides = array<i32>} : memref<288xi32, #tpu.memory_space<vmem>>, vector<16xi32>,
    %get3A_117 = vector.shape_cast %get3A_116 : vector<16xi32> to vector<16xi32>
    %mul3A_118 = arith.constant 64 : i32
    %mul3A_119 = vector.broadcast %mul3A_118 : i32 to vector<16xi32>
    %mul3A_120 = arith.muli %get3A_117, %mul3A_119 : vector<16xi32>
    %add3A_121 = arith.addi %mul3A_120, %rem3A_114 : vector<16xi32>
    %swap3A_122 = arith.constant 96 : index
    %swap3A_123 = tpu.vector_load %arg6[%swap3A_122] {strides = array<i32>} : memref<288xi32, #tpu.memory_space<vmem>>, vector<16xi32>,
    %swap3A_124 = vector.shape_cast %swap3A_123 : vector<16xi32> to vector<16xi32>
    %swap3A_125 = vector.shape_cast %add3A_121 : vector<16xi32> to vector<16xi32>
    tpu.vector_store %arg6[%swap3A_122], %swap3A_125 {strides = array<i32>} : memref<288xi32, #tpu.memory_space<vmem>>, vector<16xi32>,
    %add3A_126 = arith.constant 112 : i32
    %add3A_127 = arith.addi %mul3A_2, %add3A_126 : i32
    %add3A_128 = vector.broadcast %add3A_127 : i32 to vector<16xi32>
    %add3A_129 = arith.addi %add3A_128, %iota3A : vector<16xi32>
    %rem3A_130 = arith.constant 64 : i32
    %rem3A_131 = vector.broadcast %rem3A_130 : i32 to vector<16xi32>
    %rem3A_132 = arith.remsi %add3A_129, %rem3A_131 : vector<16xi32>
    %get3A_133 = arith.constant 112 : index
    %get3A_134 = tpu.vector_load %arg5[%get3A_133] {strides = array<i32>} : memref<288xi32, #tpu.memory_space<vmem>>, vector<16xi32>,
    %get3A_135 = vector.shape_cast %get3A_134 : vector<16xi32> to vector<16xi32>
    %mul3A_136 = arith.constant 64 : i32
    %mul3A_137 = vector.broadcast %mul3A_136 : i32 to vector<16xi32>
    %mul3A_138 = arith.muli %get3A_135, %mul3A_137 : vector<16xi32>
    %add3A_139 = arith.addi %mul3A_138, %rem3A_132 : vector<16xi32>
    %swap3A_140 = arith.constant 112 : index
    %swap3A_141 = tpu.vector_load %arg6[%swap3A_140] {strides = array<i32>} : memref<288xi32, #tpu.memory_space<vmem>>, vector<16xi32>,
    %swap3A_142 = vector.shape_cast %swap3A_141 : vector<16xi32> to vector<16xi32>
    %swap3A_143 = vector.shape_cast %add3A_139 : vector<16xi32> to vector<16xi32>
    tpu.vector_store %arg6[%swap3A_140], %swap3A_143 {strides = array<i32>} : memref<288xi32, #tpu.memory_space<vmem>>, vector<16xi32>,
    %add3A_144 = arith.constant 128 : i32
    %add3A_145 = arith.addi %mul3A_2, %add3A_144 : i32
    %add3A_146 = vector.broadcast %add3A_145 : i32 to vector<16xi32>
    %add3A_147 = arith.addi %add3A_146, %iota3A : vector<16xi32>
    %rem3A_148 = arith.constant 64 : i32
    %rem3A_149 = vector.broadcast %rem3A_148 : i32 to vector<16xi32>
    %rem3A_150 = arith.remsi %add3A_147, %rem3A_149 : vector<16xi32>
    %get3A_151 = arith.constant 128 : index
    %get3A_152 = tpu.vector_load %arg5[%get3A_151] {strides = array<i32>} : memref<288xi32, #tpu.memory_space<vmem>>, vector<16xi32>,
    %get3A_153 = vector.shape_cast %get3A_152 : vector<16xi32> to vector<16xi32>
    %mul3A_154 = arith.constant 64 : i32
    %mul3A_155 = vector.broadcast %mul3A_154 : i32 to vector<16xi32>
    %mul3A_156 = arith.muli %get3A_153, %mul3A_155 : vector<16xi32>
    %add3A_157 = arith.addi %mul3A_156, %rem3A_150 : vector<16xi32>
    %swap3A_158 = arith.constant 128 : index
    %swap3A_159 = tpu.vector_load %arg6[%swap3A_158] {strides = array<i32>} : memref<288xi32, #tpu.memory_space<vmem>>, vector<16xi32>,
    %swap3A_160 = vector.shape_cast %swap3A_159 : vector<16xi32> to vector<16xi32>
    %swap3A_161 = vector.shape_cast %add3A_157 : vector<16xi32> to vector<16xi32>
    tpu.vector_store %arg6[%swap3A_158], %swap3A_161 {strides = array<i32>} : memref<288xi32, #tpu.memory_space<vmem>>, vector<16xi32>,
    %add3A_162 = arith.constant 144 : i32
    %add3A_163 = arith.addi %mul3A_2, %add3A_162 : i32
    %add3A_164 = vector.broadcast %add3A_163 : i32 to vector<16xi32>
    %add3A_165 = arith.addi %add3A_164, %iota3A : vector<16xi32>
    %rem3A_166 = arith.constant 64 : i32
    %rem3A_167 = vector.broadcast %rem3A_166 : i32 to vector<16xi32>
    %rem3A_168 = arith.remsi %add3A_165, %rem3A_167 : vector<16xi32>
    %get3A_169 = arith.constant 144 : index
    %get3A_170 = tpu.vector_load %arg5[%get3A_169] {strides = array<i32>} : memref<288xi32, #tpu.memory_space<vmem>>, vector<16xi32>,
    %get3A_171 = vector.shape_cast %get3A_170 : vector<16xi32> to vector<16xi32>
    %mul3A_172 = arith.constant 64 : i32
    %mul3A_173 = vector.broadcast %mul3A_172 : i32 to vector<16xi32>
    %mul3A_174 = arith.muli %get3A_171, %mul3A_173 : vector<16xi32>
    %add3A_175 = arith.addi %mul3A_174, %rem3A_168 : vector<16xi32>
    %swap3A_176 = arith.constant 144 : index
    %swap3A_177 = tpu.vector_load %arg6[%swap3A_176] {strides = array<i32>} : memref<288xi32, #tpu.memory_space<vmem>>, vector<16xi32>,
    %swap3A_178 = vector.shape_cast %swap3A_177 : vector<16xi32> to vector<16xi32>
    %swap3A_179 = vector.shape_cast %add3A_175 : vector<16xi32> to vector<16xi32>
    tpu.vector_store %arg6[%swap3A_176], %swap3A_179 {strides = array<i32>} : memref<288xi32, #tpu.memory_space<vmem>>, vector<16xi32>,
    %add3A_180 = arith.constant 160 : i32
    %add3A_181 = arith.addi %mul3A_2, %add3A_180 : i32
    %add3A_182 = vector.broadcast %add3A_181 : i32 to vector<16xi32>
    %add3A_183 = arith.addi %add3A_182, %iota3A : vector<16xi32>
    %rem3A_184 = arith.constant 64 : i32
    %rem3A_185 = vector.broadcast %rem3A_184 : i32 to vector<16xi32>
    %rem3A_186 = arith.remsi %add3A_183, %rem3A_185 : vector<16xi32>
    %get3A_187 = arith.constant 160 : index
    %get3A_188 = tpu.vector_load %arg5[%get3A_187] {strides = array<i32>} : memref<288xi32, #tpu.memory_space<vmem>>, vector<16xi32>,
    %get3A_189 = vector.shape_cast %get3A_188 : vector<16xi32> to vector<16xi32>
    %mul3A_190 = arith.constant 64 : i32
    %mul3A_191 = vector.broadcast %mul3A_190 : i32 to vector<16xi32>
    %mul3A_192 = arith.muli %get3A_189, %mul3A_191 : vector<16xi32>
    %add3A_193 = arith.addi %mul3A_192, %rem3A_186 : vector<16xi32>
    %swap3A_194 = arith.constant 160 : index
    %swap3A_195 = tpu.vector_load %arg6[%swap3A_194] {strides = array<i32>} : memref<288xi32, #tpu.memory_space<vmem>>, vector<16xi32>,
    %swap3A_196 = vector.shape_cast %swap3A_195 : vector<16xi32> to vector<16xi32>
    %swap3A_197 = vector.shape_cast %add3A_193 : vector<16xi32> to vector<16xi32>
    tpu.vector_store %arg6[%swap3A_194], %swap3A_197 {strides = array<i32>} : memref<288xi32, #tpu.memory_space<vmem>>, vector<16xi32>,
    %add3A_198 = arith.constant 176 : i32
    %add3A_199 = arith.addi %mul3A_2, %add3A_198 : i32
    %add3A_200 = vector.broadcast %add3A_199 : i32 to vector<16xi32>
    %add3A_201 = arith.addi %add3A_200, %iota3A : vector<16xi32>
    %rem3A_202 = arith.constant 64 : i32
    %rem3A_203 = vector.broadcast %rem3A_202 : i32 to vector<16xi32>
    %rem3A_204 = arith.remsi %add3A_201, %rem3A_203 : vector<16xi32>
    %get3A_205 = arith.constant 176 : index
    %get3A_206 = tpu.vector_load %arg5[%get3A_205] {strides = array<i32>} : memref<288xi32, #tpu.memory_space<vmem>>, vector<16xi32>,
    %get3A_207 = vector.shape_cast %get3A_206 : vector<16xi32> to vector<16xi32>
    %mul3A_208 = arith.constant 64 : i32
    %mul3A_209 = vector.broadcast %mul3A_208 : i32 to vector<16xi32>
    %mul3A_210 = arith.muli %get3A_207, %mul3A_209 : vector<16xi32>
    %add3A_211 = arith.addi %mul3A_210, %rem3A_204 : vector<16xi32>
    %swap3A_212 = arith.constant 176 : index
    %swap3A_213 = tpu.vector_load %arg6[%swap3A_212] {strides = array<i32>} : memref<288xi32, #tpu.memory_space<vmem>>, vector<16xi32>,
    %swap3A_214 = vector.shape_cast %swap3A_213 : vector<16xi32> to vector<16xi32>
    %swap3A_215 = vector.shape_cast %add3A_211 : vector<16xi32> to vector<16xi32>
    tpu.vector_store %arg6[%swap3A_212], %swap3A_215 {strides = array<i32>} : memref<288xi32, #tpu.memory_space<vmem>>, vector<16xi32>,
    %add3A_216 = arith.constant 192 : i32
    %add3A_217 = arith.addi %mul3A_2, %add3A_216 : i32
    %add3A_218 = vector.broadcast %add3A_217 : i32 to vector<16xi32>
    %add3A_219 = arith.addi %add3A_218, %iota3A : vector<16xi32>
    %rem3A_220 = arith.constant 64 : i32
    %rem3A_221 = vector.broadcast %rem3A_220 : i32 to vector<16xi32>
    %rem3A_222 = arith.remsi %add3A_219, %rem3A_221 : vector<16xi32>
    %get3A_223 = arith.constant 192 : index
    %get3A_224 = tpu.vector_load %arg5[%get3A_223] {strides = array<i32>} : memref<288xi32, #tpu.memory_space<vmem>>, vector<16xi32>,
    %get3A_225 = vector.shape_cast %get3A_224 : vector<16xi32> to vector<16xi32>
    %mul3A_226 = arith.constant 64 : i32
    %mul3A_227 = vector.broadcast %mul3A_226 : i32 to vector<16xi32>
    %mul3A_228 = arith.muli %get3A_225, %mul3A_227 : vector<16xi32>
    %add3A_229 = arith.addi %mul3A_228, %rem3A_222 : vector<16xi32>
    %swap3A_230 = arith.constant 192 : index
    %swap3A_231 = tpu.vector_load %arg6[%swap3A_230] {strides = array<i32>} : memref<288xi32, #tpu.memory_space<vmem>>, vector<16xi32>,
    %swap3A_232 = vector.shape_cast %swap3A_231 : vector<16xi32> to vector<16xi32>
    %swap3A_233 = vector.shape_cast %add3A_229 : vector<16xi32> to vector<16xi32>
    tpu.vector_store %arg6[%swap3A_230], %swap3A_233 {strides = array<i32>} : memref<288xi32, #tpu.memory_space<vmem>>, vector<16xi32>,
    %add3A_234 = arith.constant 208 : i32
    %add3A_235 = arith.addi %mul3A_2, %add3A_234 : i32
    %add3A_236 = vector.broadcast %add3A_235 : i32 to vector<16xi32>
    %add3A_237 = arith.addi %add3A_236, %iota3A : vector<16xi32>
    %rem3A_238 = arith.constant 64 : i32
    %rem3A_239 = vector.broadcast %rem3A_238 : i32 to vector<16xi32>
    %rem3A_240 = arith.remsi %add3A_237, %rem3A_239 : vector<16xi32>
    %get3A_241 = arith.constant 208 : index
    %get3A_242 = tpu.vector_load %arg5[%get3A_241] {strides = array<i32>} : memref<288xi32, #tpu.memory_space<vmem>>, vector<16xi32>,
    %get3A_243 = vector.shape_cast %get3A_242 : vector<16xi32> to vector<16xi32>
    %mul3A_244 = arith.constant 64 : i32
    %mul3A_245 = vector.broadcast %mul3A_244 : i32 to vector<16xi32>
    %mul3A_246 = arith.muli %get3A_243, %mul3A_245 : vector<16xi32>
    %add3A_247 = arith.addi %mul3A_246, %rem3A_240 : vector<16xi32>
    %swap3A_248 = arith.constant 208 : index
    %swap3A_249 = tpu.vector_load %arg6[%swap3A_248] {strides = array<i32>} : memref<288xi32, #tpu.memory_space<vmem>>, vector<16xi32>,
    %swap3A_250 = vector.shape_cast %swap3A_249 : vector<16xi32> to vector<16xi32>
    %swap3A_251 = vector.shape_cast %add3A_247 : vector<16xi32> to vector<16xi32>
    tpu.vector_store %arg6[%swap3A_248], %swap3A_251 {strides = array<i32>} : memref<288xi32, #tpu.memory_space<vmem>>, vector<16xi32>,
    %add3A_252 = arith.constant 224 : i32
    %add3A_253 = arith.addi %mul3A_2, %add3A_252 : i32
    %add3A_254 = vector.broadcast %add3A_253 : i32 to vector<16xi32>
    %add3A_255 = arith.addi %add3A_254, %iota3A : vector<16xi32>
    %rem3A_256 = arith.constant 64 : i32
    %rem3A_257 = vector.broadcast %rem3A_256 : i32 to vector<16xi32>
    %rem3A_258 = arith.remsi %add3A_255, %rem3A_257 : vector<16xi32>
    %get3A_259 = arith.constant 224 : index
    %get3A_260 = tpu.vector_load %arg5[%get3A_259] {strides = array<i32>} : memref<288xi32, #tpu.memory_space<vmem>>, vector<16xi32>,
    %get3A_261 = vector.shape_cast %get3A_260 : vector<16xi32> to vector<16xi32>
    %mul3A_262 = arith.constant 64 : i32
    %mul3A_263 = vector.broadcast %mul3A_262 : i32 to vector<16xi32>
    %mul3A_264 = arith.muli %get3A_261, %mul3A_263 : vector<16xi32>
    %add3A_265 = arith.addi %mul3A_264, %rem3A_258 : vector<16xi32>
    %swap3A_266 = arith.constant 224 : index
    %swap3A_267 = tpu.vector_load %arg6[%swap3A_266] {strides = array<i32>} : memref<288xi32, #tpu.memory_space<vmem>>, vector<16xi32>,
    %swap3A_268 = vector.shape_cast %swap3A_267 : vector<16xi32> to vector<16xi32>
    %swap3A_269 = vector.shape_cast %add3A_265 : vector<16xi32> to vector<16xi32>
    tpu.vector_store %arg6[%swap3A_266], %swap3A_269 {strides = array<i32>} : memref<288xi32, #tpu.memory_space<vmem>>, vector<16xi32>,
    %add3A_270 = arith.constant 240 : i32
    %add3A_271 = arith.addi %mul3A_2, %add3A_270 : i32
    %add3A_272 = vector.broadcast %add3A_271 : i32 to vector<16xi32>
    %add3A_273 = arith.addi %add3A_272, %iota3A : vector<16xi32>
    %rem3A_274 = arith.constant 64 : i32
    %rem3A_275 = vector.broadcast %rem3A_274 : i32 to vector<16xi32>
    %rem3A_276 = arith.remsi %add3A_273, %rem3A_275 : vector<16xi32>
    %get3A_277 = arith.constant 240 : index
    %get3A_278 = tpu.vector_load %arg5[%get3A_277] {strides = array<i32>} : memref<288xi32, #tpu.memory_space<vmem>>, vector<16xi32>,
    %get3A_279 = vector.shape_cast %get3A_278 : vector<16xi32> to vector<16xi32>
    %mul3A_280 = arith.constant 64 : i32
    %mul3A_281 = vector.broadcast %mul3A_280 : i32 to vector<16xi32>
    %mul3A_282 = arith.muli %get3A_279, %mul3A_281 : vector<16xi32>
    %add3A_283 = arith.addi %mul3A_282, %rem3A_276 : vector<16xi32>
    %swap3A_284 = arith.constant 240 : index
    %swap3A_285 = tpu.vector_load %arg6[%swap3A_284] {strides = array<i32>} : memref<288xi32, #tpu.memory_space<vmem>>, vector<16xi32>,
    %swap3A_286 = vector.shape_cast %swap3A_285 : vector<16xi32> to vector<16xi32>
    %swap3A_287 = vector.shape_cast %add3A_283 : vector<16xi32> to vector<16xi32>
    tpu.vector_store %arg6[%swap3A_284], %swap3A_287 {strides = array<i32>} : memref<288xi32, #tpu.memory_space<vmem>>, vector<16xi32>,
    %add3A_288 = arith.constant 256 : i32
    %add3A_289 = arith.addi %mul3A_2, %add3A_288 : i32
    %add3A_290 = vector.broadcast %add3A_289 : i32 to vector<16xi32>
    %add3A_291 = arith.addi %add3A_290, %iota3A : vector<16xi32>
    %rem3A_292 = arith.constant 64 : i32
    %rem3A_293 = vector.broadcast %rem3A_292 : i32 to vector<16xi32>
    %rem3A_294 = arith.remsi %add3A_291, %rem3A_293 : vector<16xi32>
    %get3A_295 = arith.constant 256 : index
    %get3A_296 = tpu.vector_load %arg5[%get3A_295] {strides = array<i32>} : memref<288xi32, #tpu.memory_space<vmem>>, vector<16xi32>,
    %get3A_297 = vector.shape_cast %get3A_296 : vector<16xi32> to vector<16xi32>
    %mul3A_298 = arith.constant 64 : i32
    %mul3A_299 = vector.broadcast %mul3A_298 : i32 to vector<16xi32>
    %mul3A_300 = arith.muli %get3A_297, %mul3A_299 : vector<16xi32>
    %add3A_301 = arith.addi %mul3A_300, %rem3A_294 : vector<16xi32>
    %swap3A_302 = arith.constant 256 : index
    %swap3A_303 = tpu.vector_load %arg6[%swap3A_302] {strides = array<i32>} : memref<288xi32, #tpu.memory_space<vmem>>, vector<16xi32>,
    %swap3A_304 = vector.shape_cast %swap3A_303 : vector<16xi32> to vector<16xi32>
    %swap3A_305 = vector.shape_cast %add3A_301 : vector<16xi32> to vector<16xi32>
    tpu.vector_store %arg6[%swap3A_302], %swap3A_305 {strides = array<i32>} : memref<288xi32, #tpu.memory_space<vmem>>, vector<16xi32>,
    %add3A_306 = arith.constant 272 : i32
    %add3A_307 = arith.addi %mul3A_2, %add3A_306 : i32
    %add3A_308 = vector.broadcast %add3A_307 : i32 to vector<16xi32>
    %add3A_309 = arith.addi %add3A_308, %iota3A : vector<16xi32>
    %rem3A_310 = arith.constant 64 : i32
    %rem3A_311 = vector.broadcast %rem3A_310 : i32 to vector<16xi32>
    %rem3A_312 = arith.remsi %add3A_309, %rem3A_311 : vector<16xi32>
    %get3A_313 = arith.constant 272 : index
    %get3A_314 = tpu.vector_load %arg5[%get3A_313] {strides = array<i32>} : memref<288xi32, #tpu.memory_space<vmem>>, vector<16xi32>,
    %get3A_315 = vector.shape_cast %get3A_314 : vector<16xi32> to vector<16xi32>
    %mul3A_316 = arith.constant 64 : i32
    %mul3A_317 = vector.broadcast %mul3A_316 : i32 to vector<16xi32>
    %mul3A_318 = arith.muli %get3A_315, %mul3A_317 : vector<16xi32>
    %add3A_319 = arith.addi %mul3A_318, %rem3A_312 : vector<16xi32>
    %swap3A_320 = arith.constant 272 : index
    %swap3A_321 = tpu.vector_load %arg6[%swap3A_320] {strides = array<i32>} : memref<288xi32, #tpu.memory_space<vmem>>, vector<16xi32>,
    %swap3A_322 = vector.shape_cast %swap3A_321 : vector<16xi32> to vector<16xi32>
    %swap3A_323 = vector.shape_cast %add3A_319 : vector<16xi32> to vector<16xi32>
    tpu.vector_store %arg6[%swap3A_320], %swap3A_323 {strides = array<i32>} : memref<288xi32, #tpu.memory_space<vmem>>, vector<16xi32>,
    %dma_start3A = arith.constant 0 : i32
    %dma_start3A_324 = arith.constant 0 : i32
    %dma_start3A_325 = arith.constant 0 : i32
    %dma_start3A_326 = tpu.memref_slice %arg7[%dma_start3A, %dma_start3A_324, %dma_start3A_325] : memref<6x16x768xf32, #tpu.memory_space<vmem>> -> memref<1x16x768xf32, #tpu.memory_space<vmem>>
    %dma_start3A_327 = tpu.memref_squeeze %dma_start3A_326 : memref<1x16x768xf32, #tpu.memory_space<vmem>> -> memref<16x768xf32, #tpu.memory_space<vmem>>
    %dma_start3A_328 = arith.constant 0 : i32
    %dma_start3A_329 = tpu.memref_slice %arg6[%dma_start3A_328] : memref<288xi32, #tpu.memory_space<vmem>> -> memref<16xi32, #tpu.memory_space<vmem>>
    %dma_start3A_330 = arith.constant 0 : i32
    %dma_start3A_331 = arith.constant 0 : i32
    %dma_start3A_332 = tpu.memref_slice %arg2[%dma_start3A_330, %dma_start3A_331] : memref<36864x768xf32, #tpu.memory_space<hbm>> -> memref<36864x768xf32, #tpu.memory_space<hbm>>
    tpu.enqueue_indirect_dma source(%dma_start3A_332 : memref<36864x768xf32, #tpu.memory_space<hbm>>) target(%dma_start3A_327 : memref<16x768xf32, #tpu.memory_space<vmem>>) offsets(%dma_start3A_329 : memref<16xi32, #tpu.memory_space<vmem>>) semaphore(%arg8 : memref<!tpu.dma_semaphore, #tpu.memory_space<semaphore_mem>>)
    %dma_start3A_333 = arith.constant 1 : i32
    %dma_start3A_334 = arith.constant 0 : i32
    %dma_start3A_335 = arith.constant 0 : i32
    %dma_start3A_336 = tpu.memref_slice %arg7[%dma_start3A_333, %dma_start3A_334, %dma_start3A_335] : memref<6x16x768xf32, #tpu.memory_space<vmem>> -> memref<1x16x768xf32, #tpu.memory_space<vmem>>
    %dma_start3A_337 = tpu.memref_squeeze %dma_start3A_336 : memref<1x16x768xf32, #tpu.memory_space<vmem>> -> memref<16x768xf32, #tpu.memory_space<vmem>>
    %dma_start3A_338 = arith.constant 16 : i32
    %dma_start3A_339 = tpu.memref_slice %arg6[%dma_start3A_338] : memref<288xi32, #tpu.memory_space<vmem>> -> memref<16xi32, #tpu.memory_space<vmem>>
    %dma_start3A_340 = arith.constant 0 : i32
    %dma_start3A_341 = arith.constant 0 : i32
    %dma_start3A_342 = tpu.memref_slice %arg2[%dma_start3A_340, %dma_start3A_341] : memref<36864x768xf32, #tpu.memory_space<hbm>> -> memref<36864x768xf32, #tpu.memory_space<hbm>>
    tpu.enqueue_indirect_dma source(%dma_start3A_342 : memref<36864x768xf32, #tpu.memory_space<hbm>>) target(%dma_start3A_337 : memref<16x768xf32, #tpu.memory_space<vmem>>) offsets(%dma_start3A_339 : memref<16xi32, #tpu.memory_space<vmem>>) semaphore(%arg9 : memref<!tpu.dma_semaphore, #tpu.memory_space<semaphore_mem>>)
    %dma_start3A_343 = arith.constant 2 : i32
    %dma_start3A_344 = arith.constant 0 : i32
    %dma_start3A_345 = arith.constant 0 : i32
    %dma_start3A_346 = tpu.memref_slice %arg7[%dma_start3A_343, %dma_start3A_344, %dma_start3A_345] : memref<6x16x768xf32, #tpu.memory_space<vmem>> -> memref<1x16x768xf32, #tpu.memory_space<vmem>>
    %dma_start3A_347 = tpu.memref_squeeze %dma_start3A_346 : memref<1x16x768xf32, #tpu.memory_space<vmem>> -> memref<16x768xf32, #tpu.memory_space<vmem>>
    %dma_start3A_348 = arith.constant 32 : i32
    %dma_start3A_349 = tpu.memref_slice %arg6[%dma_start3A_348] : memref<288xi32, #tpu.memory_space<vmem>> -> memref<16xi32, #tpu.memory_space<vmem>>
    %dma_start3A_350 = arith.constant 0 : i32
    %dma_start3A_351 = arith.constant 0 : i32
    %dma_start3A_352 = tpu.memref_slice %arg2[%dma_start3A_350, %dma_start3A_351] : memref<36864x768xf32, #tpu.memory_space<hbm>> -> memref<36864x768xf32, #tpu.memory_space<hbm>>
    tpu.enqueue_indirect_dma source(%dma_start3A_352 : memref<36864x768xf32, #tpu.memory_space<hbm>>) target(%dma_start3A_347 : memref<16x768xf32, #tpu.memory_space<vmem>>) offsets(%dma_start3A_349 : memref<16xi32, #tpu.memory_space<vmem>>) semaphore(%arg8 : memref<!tpu.dma_semaphore, #tpu.memory_space<semaphore_mem>>)
    %dma_start3A_353 = arith.constant 3 : i32
    %dma_start3A_354 = arith.constant 0 : i32
    %dma_start3A_355 = arith.constant 0 : i32
    %dma_start3A_356 = tpu.memref_slice %arg7[%dma_start3A_353, %dma_start3A_354, %dma_start3A_355] : memref<6x16x768xf32, #tpu.memory_space<vmem>> -> memref<1x16x768xf32, #tpu.memory_space<vmem>>
    %dma_start3A_357 = tpu.memref_squeeze %dma_start3A_356 : memref<1x16x768xf32, #tpu.memory_space<vmem>> -> memref<16x768xf32, #tpu.memory_space<vmem>>
    %dma_start3A_358 = arith.constant 48 : i32
    %dma_start3A_359 = tpu.memref_slice %arg6[%dma_start3A_358] : memref<288xi32, #tpu.memory_space<vmem>> -> memref<16xi32, #tpu.memory_space<vmem>>
    %dma_start3A_360 = arith.constant 0 : i32
    %dma_start3A_361 = arith.constant 0 : i32
    %dma_start3A_362 = tpu.memref_slice %arg2[%dma_start3A_360, %dma_start3A_361] : memref<36864x768xf32, #tpu.memory_space<hbm>> -> memref<36864x768xf32, #tpu.memory_space<hbm>>
    tpu.enqueue_indirect_dma source(%dma_start3A_362 : memref<36864x768xf32, #tpu.memory_space<hbm>>) target(%dma_start3A_357 : memref<16x768xf32, #tpu.memory_space<vmem>>) offsets(%dma_start3A_359 : memref<16xi32, #tpu.memory_space<vmem>>) semaphore(%arg9 : memref<!tpu.dma_semaphore, #tpu.memory_space<semaphore_mem>>)
    %dma_start3A_363 = arith.constant 4 : i32
    %dma_start3A_364 = arith.constant 0 : i32
    %dma_start3A_365 = arith.constant 0 : i32
    %dma_start3A_366 = tpu.memref_slice %arg7[%dma_start3A_363, %dma_start3A_364, %dma_start3A_365] : memref<6x16x768xf32, #tpu.memory_space<vmem>> -> memref<1x16x768xf32, #tpu.memory_space<vmem>>
    %dma_start3A_367 = tpu.memref_squeeze %dma_start3A_366 : memref<1x16x768xf32, #tpu.memory_space<vmem>> -> memref<16x768xf32, #tpu.memory_space<vmem>>
    %dma_start3A_368 = arith.constant 64 : i32
    %dma_start3A_369 = tpu.memref_slice %arg6[%dma_start3A_368] : memref<288xi32, #tpu.memory_space<vmem>> -> memref<16xi32, #tpu.memory_space<vmem>>
    %dma_start3A_370 = arith.constant 0 : i32
    %dma_start3A_371 = arith.constant 0 : i32
    %dma_start3A_372 = tpu.memref_slice %arg2[%dma_start3A_370, %dma_start3A_371] : memref<36864x768xf32, #tpu.memory_space<hbm>> -> memref<36864x768xf32, #tpu.memory_space<hbm>>
    tpu.enqueue_indirect_dma source(%dma_start3A_372 : memref<36864x768xf32, #tpu.memory_space<hbm>>) target(%dma_start3A_367 : memref<16x768xf32, #tpu.memory_space<vmem>>) offsets(%dma_start3A_369 : memref<16xi32, #tpu.memory_space<vmem>>) semaphore(%arg8 : memref<!tpu.dma_semaphore, #tpu.memory_space<semaphore_mem>>)
    %dma_start3A_373 = arith.constant 5 : i32
    %dma_start3A_374 = arith.constant 0 : i32
    %dma_start3A_375 = arith.constant 0 : i32
    %dma_start3A_376 = tpu.memref_slice %arg7[%dma_start3A_373, %dma_start3A_374, %dma_start3A_375] : memref<6x16x768xf32, #tpu.memory_space<vmem>> -> memref<1x16x768xf32, #tpu.memory_space<vmem>>
    %dma_start3A_377 = tpu.memref_squeeze %dma_start3A_376 : memref<1x16x768xf32, #tpu.memory_space<vmem>> -> memref<16x768xf32, #tpu.memory_space<vmem>>
    %dma_start3A_378 = arith.constant 80 : i32
    %dma_start3A_379 = tpu.memref_slice %arg6[%dma_start3A_378] : memref<288xi32, #tpu.memory_space<vmem>> -> memref<16xi32, #tpu.memory_space<vmem>>
    %dma_start3A_380 = arith.constant 0 : i32
    %dma_start3A_381 = arith.constant 0 : i32
    %dma_start3A_382 = tpu.memref_slice %arg2[%dma_start3A_380, %dma_start3A_381] : memref<36864x768xf32, #tpu.memory_space<hbm>> -> memref<36864x768xf32, #tpu.memory_space<hbm>>
    tpu.enqueue_indirect_dma source(%dma_start3A_382 : memref<36864x768xf32, #tpu.memory_space<hbm>>) target(%dma_start3A_377 : memref<16x768xf32, #tpu.memory_space<vmem>>) offsets(%dma_start3A_379 : memref<16xi32, #tpu.memory_space<vmem>>) semaphore(%arg9 : memref<!tpu.dma_semaphore, #tpu.memory_space<semaphore_mem>>)
    %dma_wait3A = arith.constant 0 : i32
    %dma_wait3A_383 = arith.constant 0 : i32
    %dma_wait3A_384 = arith.constant 0 : i32
    %dma_wait3A_385 = tpu.memref_slice %arg7[%dma_wait3A, %dma_wait3A_383, %dma_wait3A_384] : memref<6x16x768xf32, #tpu.memory_space<vmem>> -> memref<1x16x768xf32, #tpu.memory_space<vmem>>
    %dma_wait3A_386 = tpu.memref_squeeze %dma_wait3A_385 : memref<1x16x768xf32, #tpu.memory_space<vmem>> -> memref<16x768xf32, #tpu.memory_space<vmem>>
    %dma_wait3A_387 = arith.constant 0 : i32
    %dma_wait3A_388 = tpu.memref_slice %arg6[%dma_wait3A_387] : memref<288xi32, #tpu.memory_space<vmem>> -> memref<16xi32, #tpu.memory_space<vmem>>
    %dma_wait3A_389 = arith.constant 0 : i32
    %dma_wait3A_390 = arith.constant 0 : i32
    %dma_wait3A_391 = tpu.memref_slice %arg2[%dma_wait3A_389, %dma_wait3A_390] : memref<36864x768xf32, #tpu.memory_space<hbm>> -> memref<36864x768xf32, #tpu.memory_space<hbm>>
    tpu.wait_indirect_dma semaphore(%arg8 : memref<!tpu.dma_semaphore, #tpu.memory_space<semaphore_mem>>) src(%dma_wait3A_391 : memref<36864x768xf32, #tpu.memory_space<hbm>>) dst(%dma_wait3A_386 : memref<16x768xf32, #tpu.memory_space<vmem>>)
    %add3A_392 = arith.constant 0 : i32
    %add3A_393 = arith.addi %mul3A_2, %add3A_392 : i32
    %dma_start3A_394 = arith.constant 0 : i32
    %dma_start3A_395 = arith.constant 0 : i32
    %dma_start3A_396 = arith.constant 0 : i32
    %dma_start3A_397 = tpu.memref_slice %arg7[%dma_start3A_394, %dma_start3A_395, %dma_start3A_396] : memref<6x16x768xf32, #tpu.memory_space<vmem>> -> memref<1x16x768xf32, #tpu.memory_space<vmem>>
    %dma_start3A_398 = tpu.memref_squeeze %dma_start3A_397 : memref<1x16x768xf32, #tpu.memory_space<vmem>> -> memref<16x768xf32, #tpu.memory_space<vmem>>
    %dma_start3A_399 = arith.constant 0 : i32
    %dma_start3A_400 = tpu.memref_slice %arg4[%add3A_393, %dma_start3A_399] : memref<9216x768xf32, #tpu.memory_space<hbm>> -> memref<16x768xf32, #tpu.memory_space<hbm>>
    %dma_start3A_401 = arith.constant 0 : i32
    %dma_start3A_402 = tpu.memref_slice %arg4[%add3A_393, %dma_start3A_401] : memref<9216x768xf32, #tpu.memory_space<hbm>> -> memref<16x768xf32, #tpu.memory_space<hbm>>
    %dma_start3A_403 = arith.constant 0 : i32
    %dma_start3A_404 = arith.constant 0 : i32
    %dma_start3A_405 = tpu.memref_slice %arg7[%dma_start3A_394, %dma_start3A_403, %dma_start3A_404] : memref<6x16x768xf32, #tpu.memory_space<vmem>> -> memref<1x16x768xf32, #tpu.memory_space<vmem>>
    %dma_start3A_406 = tpu.memref_squeeze %dma_start3A_405 : memref<1x16x768xf32, #tpu.memory_space<vmem>> -> memref<16x768xf32, #tpu.memory_space<vmem>>
    tpu.enqueue_dma source(%dma_start3A_406 : memref<16x768xf32, #tpu.memory_space<vmem>>) target(%dma_start3A_402 : memref<16x768xf32, #tpu.memory_space<hbm>>) target_semaphore(%arg10 : memref<!tpu.dma_semaphore, #tpu.memory_space<semaphore_mem>>)
    %dma_wait3A_407 = arith.constant 1 : i32
    %dma_wait3A_408 = arith.constant 0 : i32
    %dma_wait3A_409 = arith.constant 0 : i32
    %dma_wait3A_410 = tpu.memref_slice %arg7[%dma_wait3A_407, %dma_wait3A_408, %dma_wait3A_409] : memref<6x16x768xf32, #tpu.memory_space<vmem>> -> memref<1x16x768xf32, #tpu.memory_space<vmem>>
    %dma_wait3A_411 = tpu.memref_squeeze %dma_wait3A_410 : memref<1x16x768xf32, #tpu.memory_space<vmem>> -> memref<16x768xf32, #tpu.memory_space<vmem>>
    %dma_wait3A_412 = arith.constant 16 : i32
    %dma_wait3A_413 = tpu.memref_slice %arg6[%dma_wait3A_412] : memref<288xi32, #tpu.memory_space<vmem>> -> memref<16xi32, #tpu.memory_space<vmem>>
    %dma_wait3A_414 = arith.constant 0 : i32
    %dma_wait3A_415 = arith.constant 0 : i32
    %dma_wait3A_416 = tpu.memref_slice %arg2[%dma_wait3A_414, %dma_wait3A_415] : memref<36864x768xf32, #tpu.memory_space<hbm>> -> memref<36864x768xf32, #tpu.memory_space<hbm>>
    tpu.wait_indirect_dma semaphore(%arg9 : memref<!tpu.dma_semaphore, #tpu.memory_space<semaphore_mem>>) src(%dma_wait3A_416 : memref<36864x768xf32, #tpu.memory_space<hbm>>) dst(%dma_wait3A_411 : memref<16x768xf32, #tpu.memory_space<vmem>>)
    %add3A_417 = arith.constant 16 : i32
    %add3A_418 = arith.addi %mul3A_2, %add3A_417 : i32
    %dma_start3A_419 = arith.constant 1 : i32
    %dma_start3A_420 = arith.constant 0 : i32
    %dma_start3A_421 = arith.constant 0 : i32
    %dma_start3A_422 = tpu.memref_slice %arg7[%dma_start3A_419, %dma_start3A_420, %dma_start3A_421] : memref<6x16x768xf32, #tpu.memory_space<vmem>> -> memref<1x16x768xf32, #tpu.memory_space<vmem>>
    %dma_start3A_423 = tpu.memref_squeeze %dma_start3A_422 : memref<1x16x768xf32, #tpu.memory_space<vmem>> -> memref<16x768xf32, #tpu.memory_space<vmem>>
    %dma_start3A_424 = arith.constant 0 : i32
    %dma_start3A_425 = tpu.memref_slice %arg4[%add3A_418, %dma_start3A_424] : memref<9216x768xf32, #tpu.memory_space<hbm>> -> memref<16x768xf32, #tpu.memory_space<hbm>>
    %dma_start3A_426 = arith.constant 0 : i32
    %dma_start3A_427 = tpu.memref_slice %arg4[%add3A_418, %dma_start3A_426] : memref<9216x768xf32, #tpu.memory_space<hbm>> -> memref<16x768xf32, #tpu.memory_space<hbm>>
    %dma_start3A_428 = arith.constant 0 : i32
    %dma_start3A_429 = arith.constant 0 : i32
    %dma_start3A_430 = tpu.memref_slice %arg7[%dma_start3A_419, %dma_start3A_428, %dma_start3A_429] : memref<6x16x768xf32, #tpu.memory_space<vmem>> -> memref<1x16x768xf32, #tpu.memory_space<vmem>>
    %dma_start3A_431 = tpu.memref_squeeze %dma_start3A_430 : memref<1x16x768xf32, #tpu.memory_space<vmem>> -> memref<16x768xf32, #tpu.memory_space<vmem>>
    tpu.enqueue_dma source(%dma_start3A_431 : memref<16x768xf32, #tpu.memory_space<vmem>>) target(%dma_start3A_427 : memref<16x768xf32, #tpu.memory_space<hbm>>) target_semaphore(%arg11 : memref<!tpu.dma_semaphore, #tpu.memory_space<semaphore_mem>>)
    %dma_wait3A_432 = arith.constant 0 : i32
    %dma_wait3A_433 = arith.constant 0 : i32
    %dma_wait3A_434 = arith.constant 0 : i32
    %dma_wait3A_435 = tpu.memref_slice %arg7[%dma_wait3A_432, %dma_wait3A_433, %dma_wait3A_434] : memref<6x16x768xf32, #tpu.memory_space<vmem>> -> memref<1x16x768xf32, #tpu.memory_space<vmem>>
    %dma_wait3A_436 = tpu.memref_squeeze %dma_wait3A_435 : memref<1x16x768xf32, #tpu.memory_space<vmem>> -> memref<16x768xf32, #tpu.memory_space<vmem>>
    %dma_wait3A_437 = arith.constant 0 : i32
    %dma_wait3A_438 = tpu.memref_slice %arg4[%add3A_393, %dma_wait3A_437] : memref<9216x768xf32, #tpu.memory_space<hbm>> -> memref<16x768xf32, #tpu.memory_space<hbm>>
    %dma_wait3A_439 = arith.constant 0 : i32
    %dma_wait3A_440 = tpu.memref_slice %arg4[%add3A_393, %dma_wait3A_439] : memref<9216x768xf32, #tpu.memory_space<hbm>> -> memref<16x768xf32, #tpu.memory_space<hbm>>
    %dma_wait3A_441 = arith.constant 0 : i32
    %dma_wait3A_442 = arith.constant 0 : i32
    %dma_wait3A_443 = tpu.memref_slice %arg7[%dma_wait3A_432, %dma_wait3A_441, %dma_wait3A_442] : memref<6x16x768xf32, #tpu.memory_space<vmem>> -> memref<1x16x768xf32, #tpu.memory_space<vmem>>
    %dma_wait3A_444 = tpu.memref_squeeze %dma_wait3A_443 : memref<1x16x768xf32, #tpu.memory_space<vmem>> -> memref<16x768xf32, #tpu.memory_space<vmem>>
    tpu.wait_dma2 semaphore(%arg10 : memref<!tpu.dma_semaphore, #tpu.memory_space<semaphore_mem>>) src(%dma_wait3A_444 : memref<16x768xf32, #tpu.memory_space<vmem>>) dst(%dma_wait3A_440 : memref<16x768xf32, #tpu.memory_space<hbm>>)
    %dma_start3A_445 = arith.constant 0 : i32
    %dma_start3A_446 = arith.constant 0 : i32
    %dma_start3A_447 = arith.constant 0 : i32
    %dma_start3A_448 = tpu.memref_slice %arg7[%dma_start3A_445, %dma_start3A_446, %dma_start3A_447] : memref<6x16x768xf32, #tpu.memory_space<vmem>> -> memref<1x16x768xf32, #tpu.memory_space<vmem>>
    %dma_start3A_449 = tpu.memref_squeeze %dma_start3A_448 : memref<1x16x768xf32, #tpu.memory_space<vmem>> -> memref<16x768xf32, #tpu.memory_space<vmem>>
    %dma_start3A_450 = arith.constant 96 : i32
    %dma_start3A_451 = tpu.memref_slice %arg6[%dma_start3A_450] : memref<288xi32, #tpu.memory_space<vmem>> -> memref<16xi32, #tpu.memory_space<vmem>>
    %dma_start3A_452 = arith.constant 0 : i32
    %dma_start3A_453 = arith.constant 0 : i32
    %dma_start3A_454 = tpu.memref_slice %arg2[%dma_start3A_452, %dma_start3A_453] : memref<36864x768xf32, #tpu.memory_space<hbm>> -> memref<36864x768xf32, #tpu.memory_space<hbm>>
    tpu.enqueue_indirect_dma source(%dma_start3A_454 : memref<36864x768xf32, #tpu.memory_space<hbm>>) target(%dma_start3A_449 : memref<16x768xf32, #tpu.memory_space<vmem>>) offsets(%dma_start3A_451 : memref<16xi32, #tpu.memory_space<vmem>>) semaphore(%arg8 : memref<!tpu.dma_semaphore, #tpu.memory_space<semaphore_mem>>)
    %dma_wait3A_455 = arith.constant 2 : i32
    %dma_wait3A_456 = arith.constant 0 : i32
    %dma_wait3A_457 = arith.constant 0 : i32
    %dma_wait3A_458 = tpu.memref_slice %arg7[%dma_wait3A_455, %dma_wait3A_456, %dma_wait3A_457] : memref<6x16x768xf32, #tpu.memory_space<vmem>> -> memref<1x16x768xf32, #tpu.memory_space<vmem>>
    %dma_wait3A_459 = tpu.memref_squeeze %dma_wait3A_458 : memref<1x16x768xf32, #tpu.memory_space<vmem>> -> memref<16x768xf32, #tpu.memory_space<vmem>>
    %dma_wait3A_460 = arith.constant 32 : i32
    %dma_wait3A_461 = tpu.memref_slice %arg6[%dma_wait3A_460] : memref<288xi32, #tpu.memory_space<vmem>> -> memref<16xi32, #tpu.memory_space<vmem>>
    %dma_wait3A_462 = arith.constant 0 : i32
    %dma_wait3A_463 = arith.constant 0 : i32
    %dma_wait3A_464 = tpu.memref_slice %arg2[%dma_wait3A_462, %dma_wait3A_463] : memref<36864x768xf32, #tpu.memory_space<hbm>> -> memref<36864x768xf32, #tpu.memory_space<hbm>>
    tpu.wait_indirect_dma semaphore(%arg8 : memref<!tpu.dma_semaphore, #tpu.memory_space<semaphore_mem>>) src(%dma_wait3A_464 : memref<36864x768xf32, #tpu.memory_space<hbm>>) dst(%dma_wait3A_459 : memref<16x768xf32, #tpu.memory_space<vmem>>)
    %add3A_465 = arith.constant 32 : i32
    %add3A_466 = arith.addi %mul3A_2, %add3A_465 : i32
    %dma_start3A_467 = arith.constant 2 : i32
    %dma_start3A_468 = arith.constant 0 : i32
    %dma_start3A_469 = arith.constant 0 : i32
    %dma_start3A_470 = tpu.memref_slice %arg7[%dma_start3A_467, %dma_start3A_468, %dma_start3A_469] : memref<6x16x768xf32, #tpu.memory_space<vmem>> -> memref<1x16x768xf32, #tpu.memory_space<vmem>>
    %dma_start3A_471 = tpu.memref_squeeze %dma_start3A_470 : memref<1x16x768xf32, #tpu.memory_space<vmem>> -> memref<16x768xf32, #tpu.memory_space<vmem>>
    %dma_start3A_472 = arith.constant 0 : i32
    %dma_start3A_473 = tpu.memref_slice %arg4[%add3A_466, %dma_start3A_472] : memref<9216x768xf32, #tpu.memory_space<hbm>> -> memref<16x768xf32, #tpu.memory_space<hbm>>
    %dma_start3A_474 = arith.constant 0 : i32
    %dma_start3A_475 = tpu.memref_slice %arg4[%add3A_466, %dma_start3A_474] : memref<9216x768xf32, #tpu.memory_space<hbm>> -> memref<16x768xf32, #tpu.memory_space<hbm>>
    %dma_start3A_476 = arith.constant 0 : i32
    %dma_start3A_477 = arith.constant 0 : i32
    %dma_start3A_478 = tpu.memref_slice %arg7[%dma_start3A_467, %dma_start3A_476, %dma_start3A_477] : memref<6x16x768xf32, #tpu.memory_space<vmem>> -> memref<1x16x768xf32, #tpu.memory_space<vmem>>
    %dma_start3A_479 = tpu.memref_squeeze %dma_start3A_478 : memref<1x16x768xf32, #tpu.memory_space<vmem>> -> memref<16x768xf32, #tpu.memory_space<vmem>>
    tpu.enqueue_dma source(%dma_start3A_479 : memref<16x768xf32, #tpu.memory_space<vmem>>) target(%dma_start3A_475 : memref<16x768xf32, #tpu.memory_space<hbm>>) target_semaphore(%arg10 : memref<!tpu.dma_semaphore, #tpu.memory_space<semaphore_mem>>)
    %dma_wait3A_480 = arith.constant 1 : i32
    %dma_wait3A_481 = arith.constant 0 : i32
    %dma_wait3A_482 = arith.constant 0 : i32
    %dma_wait3A_483 = tpu.memref_slice %arg7[%dma_wait3A_480, %dma_wait3A_481, %dma_wait3A_482] : memref<6x16x768xf32, #tpu.memory_space<vmem>> -> memref<1x16x768xf32, #tpu.memory_space<vmem>>
    %dma_wait3A_484 = tpu.memref_squeeze %dma_wait3A_483 : memref<1x16x768xf32, #tpu.memory_space<vmem>> -> memref<16x768xf32, #tpu.memory_space<vmem>>
    %dma_wait3A_485 = arith.constant 0 : i32
    %dma_wait3A_486 = tpu.memref_slice %arg4[%add3A_418, %dma_wait3A_485] : memref<9216x768xf32, #tpu.memory_space<hbm>> -> memref<16x768xf32, #tpu.memory_space<hbm>>
    %dma_wait3A_487 = arith.constant 0 : i32
    %dma_wait3A_488 = tpu.memref_slice %arg4[%add3A_418, %dma_wait3A_487] : memref<9216x768xf32, #tpu.memory_space<hbm>> -> memref<16x768xf32, #tpu.memory_space<hbm>>
    %dma_wait3A_489 = arith.constant 0 : i32
    %dma_wait3A_490 = arith.constant 0 : i32
    %dma_wait3A_491 = tpu.memref_slice %arg7[%dma_wait3A_480, %dma_wait3A_489, %dma_wait3A_490] : memref<6x16x768xf32, #tpu.memory_space<vmem>> -> memref<1x16x768xf32, #tpu.memory_space<vmem>>
    %dma_wait3A_492 = tpu.memref_squeeze %dma_wait3A_491 : memref<1x16x768xf32, #tpu.memory_space<vmem>> -> memref<16x768xf32, #tpu.memory_space<vmem>>
    tpu.wait_dma2 semaphore(%arg11 : memref<!tpu.dma_semaphore, #tpu.memory_space<semaphore_mem>>) src(%dma_wait3A_492 : memref<16x768xf32, #tpu.memory_space<vmem>>) dst(%dma_wait3A_488 : memref<16x768xf32, #tpu.memory_space<hbm>>)
    %dma_start3A_493 = arith.constant 1 : i32
    %dma_start3A_494 = arith.constant 0 : i32
    %dma_start3A_495 = arith.constant 0 : i32
    %dma_start3A_496 = tpu.memref_slice %arg7[%dma_start3A_493, %dma_start3A_494, %dma_start3A_495] : memref<6x16x768xf32, #tpu.memory_space<vmem>> -> memref<1x16x768xf32, #tpu.memory_space<vmem>>
    %dma_start3A_497 = tpu.memref_squeeze %dma_start3A_496 : memref<1x16x768xf32, #tpu.memory_space<vmem>> -> memref<16x768xf32, #tpu.memory_space<vmem>>
    %dma_start3A_498 = arith.constant 112 : i32
    %dma_start3A_499 = tpu.memref_slice %arg6[%dma_start3A_498] : memref<288xi32, #tpu.memory_space<vmem>> -> memref<16xi32, #tpu.memory_space<vmem>>
    %dma_start3A_500 = arith.constant 0 : i32
    %dma_start3A_501 = arith.constant 0 : i32
    %dma_start3A_502 = tpu.memref_slice %arg2[%dma_start3A_500, %dma_start3A_501] : memref<36864x768xf32, #tpu.memory_space<hbm>> -> memref<36864x768xf32, #tpu.memory_space<hbm>>
    tpu.enqueue_indirect_dma source(%dma_start3A_502 : memref<36864x768xf32, #tpu.memory_space<hbm>>) target(%dma_start3A_497 : memref<16x768xf32, #tpu.memory_space<vmem>>) offsets(%dma_start3A_499 : memref<16xi32, #tpu.memory_space<vmem>>) semaphore(%arg9 : memref<!tpu.dma_semaphore, #tpu.memory_space<semaphore_mem>>)
    %dma_wait3A_503 = arith.constant 3 : i32
    %dma_wait3A_504 = arith.constant 0 : i32
    %dma_wait3A_505 = arith.constant 0 : i32
    %dma_wait3A_506 = tpu.memref_slice %arg7[%dma_wait3A_503, %dma_wait3A_504, %dma_wait3A_505] : memref<6x16x768xf32, #tpu.memory_space<vmem>> -> memref<1x16x768xf32, #tpu.memory_space<vmem>>
    %dma_wait3A_507 = tpu.memref_squeeze %dma_wait3A_506 : memref<1x16x768xf32, #tpu.memory_space<vmem>> -> memref<16x768xf32, #tpu.memory_space<vmem>>
    %dma_wait3A_508 = arith.constant 48 : i32
    %dma_wait3A_509 = tpu.memref_slice %arg6[%dma_wait3A_508] : memref<288xi32, #tpu.memory_space<vmem>> -> memref<16xi32, #tpu.memory_space<vmem>>
    %dma_wait3A_510 = arith.constant 0 : i32
    %dma_wait3A_511 = arith.constant 0 : i32
    %dma_wait3A_512 = tpu.memref_slice %arg2[%dma_wait3A_510, %dma_wait3A_511] : memref<36864x768xf32, #tpu.memory_space<hbm>> -> memref<36864x768xf32, #tpu.memory_space<hbm>>
    tpu.wait_indirect_dma semaphore(%arg9 : memref<!tpu.dma_semaphore, #tpu.memory_space<semaphore_mem>>) src(%dma_wait3A_512 : memref<36864x768xf32, #tpu.memory_space<hbm>>) dst(%dma_wait3A_507 : memref<16x768xf32, #tpu.memory_space<vmem>>)
    %add3A_513 = arith.constant 48 : i32
    %add3A_514 = arith.addi %mul3A_2, %add3A_513 : i32
    %dma_start3A_515 = arith.constant 3 : i32
    %dma_start3A_516 = arith.constant 0 : i32
    %dma_start3A_517 = arith.constant 0 : i32
    %dma_start3A_518 = tpu.memref_slice %arg7[%dma_start3A_515, %dma_start3A_516, %dma_start3A_517] : memref<6x16x768xf32, #tpu.memory_space<vmem>> -> memref<1x16x768xf32, #tpu.memory_space<vmem>>
    %dma_start3A_519 = tpu.memref_squeeze %dma_start3A_518 : memref<1x16x768xf32, #tpu.memory_space<vmem>> -> memref<16x768xf32, #tpu.memory_space<vmem>>
    %dma_start3A_520 = arith.constant 0 : i32
    %dma_start3A_521 = tpu.memref_slice %arg4[%add3A_514, %dma_start3A_520] : memref<9216x768xf32, #tpu.memory_space<hbm>> -> memref<16x768xf32, #tpu.memory_space<hbm>>
    %dma_start3A_522 = arith.constant 0 : i32
    %dma_start3A_523 = tpu.memref_slice %arg4[%add3A_514, %dma_start3A_522] : memref<9216x768xf32, #tpu.memory_space<hbm>> -> memref<16x768xf32, #tpu.memory_space<hbm>>
    %dma_start3A_524 = arith.constant 0 : i32
    %dma_start3A_525 = arith.constant 0 : i32
    %dma_start3A_526 = tpu.memref_slice %arg7[%dma_start3A_515, %dma_start3A_524, %dma_start3A_525] : memref<6x16x768xf32, #tpu.memory_space<vmem>> -> memref<1x16x768xf32, #tpu.memory_space<vmem>>
    %dma_start3A_527 = tpu.memref_squeeze %dma_start3A_526 : memref<1x16x768xf32, #tpu.memory_space<vmem>> -> memref<16x768xf32, #tpu.memory_space<vmem>>
    tpu.enqueue_dma source(%dma_start3A_527 : memref<16x768xf32, #tpu.memory_space<vmem>>) target(%dma_start3A_523 : memref<16x768xf32, #tpu.memory_space<hbm>>) target_semaphore(%arg11 : memref<!tpu.dma_semaphore, #tpu.memory_space<semaphore_mem>>)
    %dma_wait3A_528 = arith.constant 2 : i32
    %dma_wait3A_529 = arith.constant 0 : i32
    %dma_wait3A_530 = arith.constant 0 : i32
    %dma_wait3A_531 = tpu.memref_slice %arg7[%dma_wait3A_528, %dma_wait3A_529, %dma_wait3A_530] : memref<6x16x768xf32, #tpu.memory_space<vmem>> -> memref<1x16x768xf32, #tpu.memory_space<vmem>>
    %dma_wait3A_532 = tpu.memref_squeeze %dma_wait3A_531 : memref<1x16x768xf32, #tpu.memory_space<vmem>> -> memref<16x768xf32, #tpu.memory_space<vmem>>
    %dma_wait3A_533 = arith.constant 0 : i32
    %dma_wait3A_534 = tpu.memref_slice %arg4[%add3A_466, %dma_wait3A_533] : memref<9216x768xf32, #tpu.memory_space<hbm>> -> memref<16x768xf32, #tpu.memory_space<hbm>>
    %dma_wait3A_535 = arith.constant 0 : i32
    %dma_wait3A_536 = tpu.memref_slice %arg4[%add3A_466, %dma_wait3A_535] : memref<9216x768xf32, #tpu.memory_space<hbm>> -> memref<16x768xf32, #tpu.memory_space<hbm>>
    %dma_wait3A_537 = arith.constant 0 : i32
    %dma_wait3A_538 = arith.constant 0 : i32
    %dma_wait3A_539 = tpu.memref_slice %arg7[%dma_wait3A_528, %dma_wait3A_537, %dma_wait3A_538] : memref<6x16x768xf32, #tpu.memory_space<vmem>> -> memref<1x16x768xf32, #tpu.memory_space<vmem>>
    %dma_wait3A_540 = tpu.memref_squeeze %dma_wait3A_539 : memref<1x16x768xf32, #tpu.memory_space<vmem>> -> memref<16x768xf32, #tpu.memory_space<vmem>>
    tpu.wait_dma2 semaphore(%arg10 : memref<!tpu.dma_semaphore, #tpu.memory_space<semaphore_mem>>) src(%dma_wait3A_540 : memref<16x768xf32, #tpu.memory_space<vmem>>) dst(%dma_wait3A_536 : memref<16x768xf32, #tpu.memory_space<hbm>>)
    %dma_start3A_541 = arith.constant 2 : i32
    %dma_start3A_542 = arith.constant 0 : i32
    %dma_start3A_543 = arith.constant 0 : i32
    %dma_start3A_544 = tpu.memref_slice %arg7[%dma_start3A_541, %dma_start3A_542, %dma_start3A_543] : memref<6x16x768xf32, #tpu.memory_space<vmem>> -> memref<1x16x768xf32, #tpu.memory_space<vmem>>
    %dma_start3A_545 = tpu.memref_squeeze %dma_start3A_544 : memref<1x16x768xf32, #tpu.memory_space<vmem>> -> memref<16x768xf32, #tpu.memory_space<vmem>>
    %dma_start3A_546 = arith.constant 128 : i32
    %dma_start3A_547 = tpu.memref_slice %arg6[%dma_start3A_546] : memref<288xi32, #tpu.memory_space<vmem>> -> memref<16xi32, #tpu.memory_space<vmem>>
    %dma_start3A_548 = arith.constant 0 : i32
    %dma_start3A_549 = arith.constant 0 : i32
    %dma_start3A_550 = tpu.memref_slice %arg2[%dma_start3A_548, %dma_start3A_549] : memref<36864x768xf32, #tpu.memory_space<hbm>> -> memref<36864x768xf32, #tpu.memory_space<hbm>>
    tpu.enqueue_indirect_dma source(%dma_start3A_550 : memref<36864x768xf32, #tpu.memory_space<hbm>>) target(%dma_start3A_545 : memref<16x768xf32, #tpu.memory_space<vmem>>) offsets(%dma_start3A_547 : memref<16xi32, #tpu.memory_space<vmem>>) semaphore(%arg8 : memref<!tpu.dma_semaphore, #tpu.memory_space<semaphore_mem>>)
    %dma_wait3A_551 = arith.constant 4 : i32
    %dma_wait3A_552 = arith.constant 0 : i32
    %dma_wait3A_553 = arith.constant 0 : i32
    %dma_wait3A_554 = tpu.memref_slice %arg7[%dma_wait3A_551, %dma_wait3A_552, %dma_wait3A_553] : memref<6x16x768xf32, #tpu.memory_space<vmem>> -> memref<1x16x768xf32, #tpu.memory_space<vmem>>
    %dma_wait3A_555 = tpu.memref_squeeze %dma_wait3A_554 : memref<1x16x768xf32, #tpu.memory_space<vmem>> -> memref<16x768xf32, #tpu.memory_space<vmem>>
    %dma_wait3A_556 = arith.constant 64 : i32
    %dma_wait3A_557 = tpu.memref_slice %arg6[%dma_wait3A_556] : memref<288xi32, #tpu.memory_space<vmem>> -> memref<16xi32, #tpu.memory_space<vmem>>
    %dma_wait3A_558 = arith.constant 0 : i32
    %dma_wait3A_559 = arith.constant 0 : i32
    %dma_wait3A_560 = tpu.memref_slice %arg2[%dma_wait3A_558, %dma_wait3A_559] : memref<36864x768xf32, #tpu.memory_space<hbm>> -> memref<36864x768xf32, #tpu.memory_space<hbm>>
    tpu.wait_indirect_dma semaphore(%arg8 : memref<!tpu.dma_semaphore, #tpu.memory_space<semaphore_mem>>) src(%dma_wait3A_560 : memref<36864x768xf32, #tpu.memory_space<hbm>>) dst(%dma_wait3A_555 : memref<16x768xf32, #tpu.memory_space<vmem>>)
    %add3A_561 = arith.constant 64 : i32
    %add3A_562 = arith.addi %mul3A_2, %add3A_561 : i32
    %dma_start3A_563 = arith.constant 4 : i32
    %dma_start3A_564 = arith.constant 0 : i32
    %dma_start3A_565 = arith.constant 0 : i32
    %dma_start3A_566 = tpu.memref_slice %arg7[%dma_start3A_563, %dma_start3A_564, %dma_start3A_565] : memref<6x16x768xf32, #tpu.memory_space<vmem>> -> memref<1x16x768xf32, #tpu.memory_space<vmem>>
    %dma_start3A_567 = tpu.memref_squeeze %dma_start3A_566 : memref<1x16x768xf32, #tpu.memory_space<vmem>> -> memref<16x768xf32, #tpu.memory_space<vmem>>
    %dma_start3A_568 = arith.constant 0 : i32
    %dma_start3A_569 = tpu.memref_slice %arg4[%add3A_562, %dma_start3A_568] : memref<9216x768xf32, #tpu.memory_space<hbm>> -> memref<16x768xf32, #tpu.memory_space<hbm>>
    %dma_start3A_570 = arith.constant 0 : i32
    %dma_start3A_571 = tpu.memref_slice %arg4[%add3A_562, %dma_start3A_570] : memref<9216x768xf32, #tpu.memory_space<hbm>> -> memref<16x768xf32, #tpu.memory_space<hbm>>
    %dma_start3A_572 = arith.constant 0 : i32
    %dma_start3A_573 = arith.constant 0 : i32
    %dma_start3A_574 = tpu.memref_slice %arg7[%dma_start3A_563, %dma_start3A_572, %dma_start3A_573] : memref<6x16x768xf32, #tpu.memory_space<vmem>> -> memref<1x16x768xf32, #tpu.memory_space<vmem>>
    %dma_start3A_575 = tpu.memref_squeeze %dma_start3A_574 : memref<1x16x768xf32, #tpu.memory_space<vmem>> -> memref<16x768xf32, #tpu.memory_space<vmem>>
    tpu.enqueue_dma source(%dma_start3A_575 : memref<16x768xf32, #tpu.memory_space<vmem>>) target(%dma_start3A_571 : memref<16x768xf32, #tpu.memory_space<hbm>>) target_semaphore(%arg10 : memref<!tpu.dma_semaphore, #tpu.memory_space<semaphore_mem>>)
    %dma_wait3A_576 = arith.constant 3 : i32
    %dma_wait3A_577 = arith.constant 0 : i32
    %dma_wait3A_578 = arith.constant 0 : i32
    %dma_wait3A_579 = tpu.memref_slice %arg7[%dma_wait3A_576, %dma_wait3A_577, %dma_wait3A_578] : memref<6x16x768xf32, #tpu.memory_space<vmem>> -> memref<1x16x768xf32, #tpu.memory_space<vmem>>
    %dma_wait3A_580 = tpu.memref_squeeze %dma_wait3A_579 : memref<1x16x768xf32, #tpu.memory_space<vmem>> -> memref<16x768xf32, #tpu.memory_space<vmem>>
    %dma_wait3A_581 = arith.constant 0 : i32
    %dma_wait3A_582 = tpu.memref_slice %arg4[%add3A_514, %dma_wait3A_581] : memref<9216x768xf32, #tpu.memory_space<hbm>> -> memref<16x768xf32, #tpu.memory_space<hbm>>
    %dma_wait3A_583 = arith.constant 0 : i32
    %dma_wait3A_584 = tpu.memref_slice %arg4[%add3A_514, %dma_wait3A_583] : memref<9216x768xf32, #tpu.memory_space<hbm>> -> memref<16x768xf32, #tpu.memory_space<hbm>>
    %dma_wait3A_585 = arith.constant 0 : i32
    %dma_wait3A_586 = arith.constant 0 : i32
    %dma_wait3A_587 = tpu.memref_slice %arg7[%dma_wait3A_576, %dma_wait3A_585, %dma_wait3A_586] : memref<6x16x768xf32, #tpu.memory_space<vmem>> -> memref<1x16x768xf32, #tpu.memory_space<vmem>>
    %dma_wait3A_588 = tpu.memref_squeeze %dma_wait3A_587 : memref<1x16x768xf32, #tpu.memory_space<vmem>> -> memref<16x768xf32, #tpu.memory_space<vmem>>
    tpu.wait_dma2 semaphore(%arg11 : memref<!tpu.dma_semaphore, #tpu.memory_space<semaphore_mem>>) src(%dma_wait3A_588 : memref<16x768xf32, #tpu.memory_space<vmem>>) dst(%dma_wait3A_584 : memref<16x768xf32, #tpu.memory_space<hbm>>)
    %dma_start3A_589 = arith.constant 3 : i32
    %dma_start3A_590 = arith.constant 0 : i32
    %dma_start3A_591 = arith.constant 0 : i32
    %dma_start3A_592 = tpu.memref_slice %arg7[%dma_start3A_589, %dma_start3A_590, %dma_start3A_591] : memref<6x16x768xf32, #tpu.memory_space<vmem>> -> memref<1x16x768xf32, #tpu.memory_space<vmem>>
    %dma_start3A_593 = tpu.memref_squeeze %dma_start3A_592 : memref<1x16x768xf32, #tpu.memory_space<vmem>> -> memref<16x768xf32, #tpu.memory_space<vmem>>
    %dma_start3A_594 = arith.constant 144 : i32
    %dma_start3A_595 = tpu.memref_slice %arg6[%dma_start3A_594] : memref<288xi32, #tpu.memory_space<vmem>> -> memref<16xi32, #tpu.memory_space<vmem>>
    %dma_start3A_596 = arith.constant 0 : i32
    %dma_start3A_597 = arith.constant 0 : i32
    %dma_start3A_598 = tpu.memref_slice %arg2[%dma_start3A_596, %dma_start3A_597] : memref<36864x768xf32, #tpu.memory_space<hbm>> -> memref<36864x768xf32, #tpu.memory_space<hbm>>
    tpu.enqueue_indirect_dma source(%dma_start3A_598 : memref<36864x768xf32, #tpu.memory_space<hbm>>) target(%dma_start3A_593 : memref<16x768xf32, #tpu.memory_space<vmem>>) offsets(%dma_start3A_595 : memref<16xi32, #tpu.memory_space<vmem>>) semaphore(%arg9 : memref<!tpu.dma_semaphore, #tpu.memory_space<semaphore_mem>>)
    %dma_wait3A_599 = arith.constant 5 : i32
    %dma_wait3A_600 = arith.constant 0 : i32
    %dma_wait3A_601 = arith.constant 0 : i32
    %dma_wait3A_602 = tpu.memref_slice %arg7[%dma_wait3A_599, %dma_wait3A_600, %dma_wait3A_601] : memref<6x16x768xf32, #tpu.memory_space<vmem>> -> memref<1x16x768xf32, #tpu.memory_space<vmem>>
    %dma_wait3A_603 = tpu.memref_squeeze %dma_wait3A_602 : memref<1x16x768xf32, #tpu.memory_space<vmem>> -> memref<16x768xf32, #tpu.memory_space<vmem>>
    %dma_wait3A_604 = arith.constant 80 : i32
    %dma_wait3A_605 = tpu.memref_slice %arg6[%dma_wait3A_604] : memref<288xi32, #tpu.memory_space<vmem>> -> memref<16xi32, #tpu.memory_space<vmem>>
    %dma_wait3A_606 = arith.constant 0 : i32
    %dma_wait3A_607 = arith.constant 0 : i32
    %dma_wait3A_608 = tpu.memref_slice %arg2[%dma_wait3A_606, %dma_wait3A_607] : memref<36864x768xf32, #tpu.memory_space<hbm>> -> memref<36864x768xf32, #tpu.memory_space<hbm>>
    tpu.wait_indirect_dma semaphore(%arg9 : memref<!tpu.dma_semaphore, #tpu.memory_space<semaphore_mem>>) src(%dma_wait3A_608 : memref<36864x768xf32, #tpu.memory_space<hbm>>) dst(%dma_wait3A_603 : memref<16x768xf32, #tpu.memory_space<vmem>>)
    %add3A_609 = arith.constant 80 : i32
    %add3A_610 = arith.addi %mul3A_2, %add3A_609 : i32
    %dma_start3A_611 = arith.constant 5 : i32
    %dma_start3A_612 = arith.constant 0 : i32
    %dma_start3A_613 = arith.constant 0 : i32
    %dma_start3A_614 = tpu.memref_slice %arg7[%dma_start3A_611, %dma_start3A_612, %dma_start3A_613] : memref<6x16x768xf32, #tpu.memory_space<vmem>> -> memref<1x16x768xf32, #tpu.memory_space<vmem>>
    %dma_start3A_615 = tpu.memref_squeeze %dma_start3A_614 : memref<1x16x768xf32, #tpu.memory_space<vmem>> -> memref<16x768xf32, #tpu.memory_space<vmem>>
    %dma_start3A_616 = arith.constant 0 : i32
    %dma_start3A_617 = tpu.memref_slice %arg4[%add3A_610, %dma_start3A_616] : memref<9216x768xf32, #tpu.memory_space<hbm>> -> memref<16x768xf32, #tpu.memory_space<hbm>>
    %dma_start3A_618 = arith.constant 0 : i32
    %dma_start3A_619 = tpu.memref_slice %arg4[%add3A_610, %dma_start3A_618] : memref<9216x768xf32, #tpu.memory_space<hbm>> -> memref<16x768xf32, #tpu.memory_space<hbm>>
    %dma_start3A_620 = arith.constant 0 : i32
    %dma_start3A_621 = arith.constant 0 : i32
    %dma_start3A_622 = tpu.memref_slice %arg7[%dma_start3A_611, %dma_start3A_620, %dma_start3A_621] : memref<6x16x768xf32, #tpu.memory_space<vmem>> -> memref<1x16x768xf32, #tpu.memory_space<vmem>>
    %dma_start3A_623 = tpu.memref_squeeze %dma_start3A_622 : memref<1x16x768xf32, #tpu.memory_space<vmem>> -> memref<16x768xf32, #tpu.memory_space<vmem>>
    tpu.enqueue_dma source(%dma_start3A_623 : memref<16x768xf32, #tpu.memory_space<vmem>>) target(%dma_start3A_619 : memref<16x768xf32, #tpu.memory_space<hbm>>) target_semaphore(%arg11 : memref<!tpu.dma_semaphore, #tpu.memory_space<semaphore_mem>>)
    %dma_wait3A_624 = arith.constant 4 : i32
    %dma_wait3A_625 = arith.constant 0 : i32
    %dma_wait3A_626 = arith.constant 0 : i32
    %dma_wait3A_627 = tpu.memref_slice %arg7[%dma_wait3A_624, %dma_wait3A_625, %dma_wait3A_626] : memref<6x16x768xf32, #tpu.memory_space<vmem>> -> memref<1x16x768xf32, #tpu.memory_space<vmem>>
    %dma_wait3A_628 = tpu.memref_squeeze %dma_wait3A_627 : memref<1x16x768xf32, #tpu.memory_space<vmem>> -> memref<16x768xf32, #tpu.memory_space<vmem>>
    %dma_wait3A_629 = arith.constant 0 : i32
    %dma_wait3A_630 = tpu.memref_slice %arg4[%add3A_562, %dma_wait3A_629] : memref<9216x768xf32, #tpu.memory_space<hbm>> -> memref<16x768xf32, #tpu.memory_space<hbm>>
    %dma_wait3A_631 = arith.constant 0 : i32
    %dma_wait3A_632 = tpu.memref_slice %arg4[%add3A_562, %dma_wait3A_631] : memref<9216x768xf32, #tpu.memory_space<hbm>> -> memref<16x768xf32, #tpu.memory_space<hbm>>
    %dma_wait3A_633 = arith.constant 0 : i32
    %dma_wait3A_634 = arith.constant 0 : i32
    %dma_wait3A_635 = tpu.memref_slice %arg7[%dma_wait3A_624, %dma_wait3A_633, %dma_wait3A_634] : memref<6x16x768xf32, #tpu.memory_space<vmem>> -> memref<1x16x768xf32, #tpu.memory_space<vmem>>
    %dma_wait3A_636 = tpu.memref_squeeze %dma_wait3A_635 : memref<1x16x768xf32, #tpu.memory_space<vmem>> -> memref<16x768xf32, #tpu.memory_space<vmem>>
    tpu.wait_dma2 semaphore(%arg10 : memref<!tpu.dma_semaphore, #tpu.memory_space<semaphore_mem>>) src(%dma_wait3A_636 : memref<16x768xf32, #tpu.memory_space<vmem>>) dst(%dma_wait3A_632 : memref<16x768xf32, #tpu.memory_space<hbm>>)
    %dma_start3A_637 = arith.constant 4 : i32
    %dma_start3A_638 = arith.constant 0 : i32
    %dma_start3A_639 = arith.constant 0 : i32
    %dma_start3A_640 = tpu.memref_slice %arg7[%dma_start3A_637, %dma_start3A_638, %dma_start3A_639] : memref<6x16x768xf32, #tpu.memory_space<vmem>> -> memref<1x16x768xf32, #tpu.memory_space<vmem>>
    %dma_start3A_641 = tpu.memref_squeeze %dma_start3A_640 : memref<1x16x768xf32, #tpu.memory_space<vmem>> -> memref<16x768xf32, #tpu.memory_space<vmem>>
    %dma_start3A_642 = arith.constant 160 : i32
    %dma_start3A_643 = tpu.memref_slice %arg6[%dma_start3A_642] : memref<288xi32, #tpu.memory_space<vmem>> -> memref<16xi32, #tpu.memory_space<vmem>>
    %dma_start3A_644 = arith.constant 0 : i32
    %dma_start3A_645 = arith.constant 0 : i32
    %dma_start3A_646 = tpu.memref_slice %arg2[%dma_start3A_644, %dma_start3A_645] : memref<36864x768xf32, #tpu.memory_space<hbm>> -> memref<36864x768xf32, #tpu.memory_space<hbm>>
    tpu.enqueue_indirect_dma source(%dma_start3A_646 : memref<36864x768xf32, #tpu.memory_space<hbm>>) target(%dma_start3A_641 : memref<16x768xf32, #tpu.memory_space<vmem>>) offsets(%dma_start3A_643 : memref<16xi32, #tpu.memory_space<vmem>>) semaphore(%arg8 : memref<!tpu.dma_semaphore, #tpu.memory_space<semaphore_mem>>)
    %dma_wait3A_647 = arith.constant 0 : i32
    %dma_wait3A_648 = arith.constant 0 : i32
    %dma_wait3A_649 = arith.constant 0 : i32
    %dma_wait3A_650 = tpu.memref_slice %arg7[%dma_wait3A_647, %dma_wait3A_648, %dma_wait3A_649] : memref<6x16x768xf32, #tpu.memory_space<vmem>> -> memref<1x16x768xf32, #tpu.memory_space<vmem>>
    %dma_wait3A_651 = tpu.memref_squeeze %dma_wait3A_650 : memref<1x16x768xf32, #tpu.memory_space<vmem>> -> memref<16x768xf32, #tpu.memory_space<vmem>>
    %dma_wait3A_652 = arith.constant 96 : i32
    %dma_wait3A_653 = tpu.memref_slice %arg6[%dma_wait3A_652] : memref<288xi32, #tpu.memory_space<vmem>> -> memref<16xi32, #tpu.memory_space<vmem>>
    %dma_wait3A_654 = arith.constant 0 : i32
    %dma_wait3A_655 = arith.constant 0 : i32
    %dma_wait3A_656 = tpu.memref_slice %arg2[%dma_wait3A_654, %dma_wait3A_655] : memref<36864x768xf32, #tpu.memory_space<hbm>> -> memref<36864x768xf32, #tpu.memory_space<hbm>>
    tpu.wait_indirect_dma semaphore(%arg8 : memref<!tpu.dma_semaphore, #tpu.memory_space<semaphore_mem>>) src(%dma_wait3A_656 : memref<36864x768xf32, #tpu.memory_space<hbm>>) dst(%dma_wait3A_651 : memref<16x768xf32, #tpu.memory_space<vmem>>)
    %add3A_657 = arith.constant 96 : i32
    %add3A_658 = arith.addi %mul3A_2, %add3A_657 : i32
    %dma_start3A_659 = arith.constant 0 : i32
    %dma_start3A_660 = arith.constant 0 : i32
    %dma_start3A_661 = arith.constant 0 : i32
    %dma_start3A_662 = tpu.memref_slice %arg7[%dma_start3A_659, %dma_start3A_660, %dma_start3A_661] : memref<6x16x768xf32, #tpu.memory_space<vmem>> -> memref<1x16x768xf32, #tpu.memory_space<vmem>>
    %dma_start3A_663 = tpu.memref_squeeze %dma_start3A_662 : memref<1x16x768xf32, #tpu.memory_space<vmem>> -> memref<16x768xf32, #tpu.memory_space<vmem>>
    %dma_start3A_664 = arith.constant 0 : i32
    %dma_start3A_665 = tpu.memref_slice %arg4[%add3A_658, %dma_start3A_664] : memref<9216x768xf32, #tpu.memory_space<hbm>> -> memref<16x768xf32, #tpu.memory_space<hbm>>
    %dma_start3A_666 = arith.constant 0 : i32
    %dma_start3A_667 = tpu.memref_slice %arg4[%add3A_658, %dma_start3A_666] : memref<9216x768xf32, #tpu.memory_space<hbm>> -> memref<16x768xf32, #tpu.memory_space<hbm>>
    %dma_start3A_668 = arith.constant 0 : i32
    %dma_start3A_669 = arith.constant 0 : i32
    %dma_start3A_670 = tpu.memref_slice %arg7[%dma_start3A_659, %dma_start3A_668, %dma_start3A_669] : memref<6x16x768xf32, #tpu.memory_space<vmem>> -> memref<1x16x768xf32, #tpu.memory_space<vmem>>
    %dma_start3A_671 = tpu.memref_squeeze %dma_start3A_670 : memref<1x16x768xf32, #tpu.memory_space<vmem>> -> memref<16x768xf32, #tpu.memory_space<vmem>>
    tpu.enqueue_dma source(%dma_start3A_671 : memref<16x768xf32, #tpu.memory_space<vmem>>) target(%dma_start3A_667 : memref<16x768xf32, #tpu.memory_space<hbm>>) target_semaphore(%arg10 : memref<!tpu.dma_semaphore, #tpu.memory_space<semaphore_mem>>)
    %dma_wait3A_672 = arith.constant 5 : i32
    %dma_wait3A_673 = arith.constant 0 : i32
    %dma_wait3A_674 = arith.constant 0 : i32
    %dma_wait3A_675 = tpu.memref_slice %arg7[%dma_wait3A_672, %dma_wait3A_673, %dma_wait3A_674] : memref<6x16x768xf32, #tpu.memory_space<vmem>> -> memref<1x16x768xf32, #tpu.memory_space<vmem>>
    %dma_wait3A_676 = tpu.memref_squeeze %dma_wait3A_675 : memref<1x16x768xf32, #tpu.memory_space<vmem>> -> memref<16x768xf32, #tpu.memory_space<vmem>>
    %dma_wait3A_677 = arith.constant 0 : i32
    %dma_wait3A_678 = tpu.memref_slice %arg4[%add3A_610, %dma_wait3A_677] : memref<9216x768xf32, #tpu.memory_space<hbm>> -> memref<16x768xf32, #tpu.memory_space<hbm>>
    %dma_wait3A_679 = arith.constant 0 : i32
    %dma_wait3A_680 = tpu.memref_slice %arg4[%add3A_610, %dma_wait3A_679] : memref<9216x768xf32, #tpu.memory_space<hbm>> -> memref<16x768xf32, #tpu.memory_space<hbm>>
    %dma_wait3A_681 = arith.constant 0 : i32
    %dma_wait3A_682 = arith.constant 0 : i32
    %dma_wait3A_683 = tpu.memref_slice %arg7[%dma_wait3A_672, %dma_wait3A_681, %dma_wait3A_682] : memref<6x16x768xf32, #tpu.memory_space<vmem>> -> memref<1x16x768xf32, #tpu.memory_space<vmem>>
    %dma_wait3A_684 = tpu.memref_squeeze %dma_wait3A_683 : memref<1x16x768xf32, #tpu.memory_space<vmem>> -> memref<16x768xf32, #tpu.memory_space<vmem>>
    tpu.wait_dma2 semaphore(%arg11 : memref<!tpu.dma_semaphore, #tpu.memory_space<semaphore_mem>>) src(%dma_wait3A_684 : memref<16x768xf32, #tpu.memory_space<vmem>>) dst(%dma_wait3A_680 : memref<16x768xf32, #tpu.memory_space<hbm>>)
    %dma_start3A_685 = arith.constant 5 : i32
    %dma_start3A_686 = arith.constant 0 : i32
    %dma_start3A_687 = arith.constant 0 : i32
    %dma_start3A_688 = tpu.memref_slice %arg7[%dma_start3A_685, %dma_start3A_686, %dma_start3A_687] : memref<6x16x768xf32, #tpu.memory_space<vmem>> -> memref<1x16x768xf32, #tpu.memory_space<vmem>>
    %dma_start3A_689 = tpu.memref_squeeze %dma_start3A_688 : memref<1x16x768xf32, #tpu.memory_space<vmem>> -> memref<16x768xf32, #tpu.memory_space<vmem>>
    %dma_start3A_690 = arith.constant 176 : i32
    %dma_start3A_691 = tpu.memref_slice %arg6[%dma_start3A_690] : memref<288xi32, #tpu.memory_space<vmem>> -> memref<16xi32, #tpu.memory_space<vmem>>
    %dma_start3A_692 = arith.constant 0 : i32
    %dma_start3A_693 = arith.constant 0 : i32
    %dma_start3A_694 = tpu.memref_slice %arg2[%dma_start3A_692, %dma_start3A_693] : memref<36864x768xf32, #tpu.memory_space<hbm>> -> memref<36864x768xf32, #tpu.memory_space<hbm>>
    tpu.enqueue_indirect_dma source(%dma_start3A_694 : memref<36864x768xf32, #tpu.memory_space<hbm>>) target(%dma_start3A_689 : memref<16x768xf32, #tpu.memory_space<vmem>>) offsets(%dma_start3A_691 : memref<16xi32, #tpu.memory_space<vmem>>) semaphore(%arg9 : memref<!tpu.dma_semaphore, #tpu.memory_space<semaphore_mem>>)
    %dma_wait3A_695 = arith.constant 1 : i32
    %dma_wait3A_696 = arith.constant 0 : i32
    %dma_wait3A_697 = arith.constant 0 : i32
    %dma_wait3A_698 = tpu.memref_slice %arg7[%dma_wait3A_695, %dma_wait3A_696, %dma_wait3A_697] : memref<6x16x768xf32, #tpu.memory_space<vmem>> -> memref<1x16x768xf32, #tpu.memory_space<vmem>>
    %dma_wait3A_699 = tpu.memref_squeeze %dma_wait3A_698 : memref<1x16x768xf32, #tpu.memory_space<vmem>> -> memref<16x768xf32, #tpu.memory_space<vmem>>
    %dma_wait3A_700 = arith.constant 112 : i32
    %dma_wait3A_701 = tpu.memref_slice %arg6[%dma_wait3A_700] : memref<288xi32, #tpu.memory_space<vmem>> -> memref<16xi32, #tpu.memory_space<vmem>>
    %dma_wait3A_702 = arith.constant 0 : i32
    %dma_wait3A_703 = arith.constant 0 : i32
    %dma_wait3A_704 = tpu.memref_slice %arg2[%dma_wait3A_702, %dma_wait3A_703] : memref<36864x768xf32, #tpu.memory_space<hbm>> -> memref<36864x768xf32, #tpu.memory_space<hbm>>
    tpu.wait_indirect_dma semaphore(%arg9 : memref<!tpu.dma_semaphore, #tpu.memory_space<semaphore_mem>>) src(%dma_wait3A_704 : memref<36864x768xf32, #tpu.memory_space<hbm>>) dst(%dma_wait3A_699 : memref<16x768xf32, #tpu.memory_space<vmem>>)
    %add3A_705 = arith.constant 112 : i32
    %add3A_706 = arith.addi %mul3A_2, %add3A_705 : i32
    %dma_start3A_707 = arith.constant 1 : i32
    %dma_start3A_708 = arith.constant 0 : i32
    %dma_start3A_709 = arith.constant 0 : i32
    %dma_start3A_710 = tpu.memref_slice %arg7[%dma_start3A_707, %dma_start3A_708, %dma_start3A_709] : memref<6x16x768xf32, #tpu.memory_space<vmem>> -> memref<1x16x768xf32, #tpu.memory_space<vmem>>
    %dma_start3A_711 = tpu.memref_squeeze %dma_start3A_710 : memref<1x16x768xf32, #tpu.memory_space<vmem>> -> memref<16x768xf32, #tpu.memory_space<vmem>>
    %dma_start3A_712 = arith.constant 0 : i32
    %dma_start3A_713 = tpu.memref_slice %arg4[%add3A_706, %dma_start3A_712] : memref<9216x768xf32, #tpu.memory_space<hbm>> -> memref<16x768xf32, #tpu.memory_space<hbm>>
    %dma_start3A_714 = arith.constant 0 : i32
    %dma_start3A_715 = tpu.memref_slice %arg4[%add3A_706, %dma_start3A_714] : memref<9216x768xf32, #tpu.memory_space<hbm>> -> memref<16x768xf32, #tpu.memory_space<hbm>>
    %dma_start3A_716 = arith.constant 0 : i32
    %dma_start3A_717 = arith.constant 0 : i32
    %dma_start3A_718 = tpu.memref_slice %arg7[%dma_start3A_707, %dma_start3A_716, %dma_start3A_717] : memref<6x16x768xf32, #tpu.memory_space<vmem>> -> memref<1x16x768xf32, #tpu.memory_space<vmem>>
    %dma_start3A_719 = tpu.memref_squeeze %dma_start3A_718 : memref<1x16x768xf32, #tpu.memory_space<vmem>> -> memref<16x768xf32, #tpu.memory_space<vmem>>
    tpu.enqueue_dma source(%dma_start3A_719 : memref<16x768xf32, #tpu.memory_space<vmem>>) target(%dma_start3A_715 : memref<16x768xf32, #tpu.memory_space<hbm>>) target_semaphore(%arg11 : memref<!tpu.dma_semaphore, #tpu.memory_space<semaphore_mem>>)
    %dma_wait3A_720 = arith.constant 0 : i32
    %dma_wait3A_721 = arith.constant 0 : i32
    %dma_wait3A_722 = arith.constant 0 : i32
    %dma_wait3A_723 = tpu.memref_slice %arg7[%dma_wait3A_720, %dma_wait3A_721, %dma_wait3A_722] : memref<6x16x768xf32, #tpu.memory_space<vmem>> -> memref<1x16x768xf32, #tpu.memory_space<vmem>>
    %dma_wait3A_724 = tpu.memref_squeeze %dma_wait3A_723 : memref<1x16x768xf32, #tpu.memory_space<vmem>> -> memref<16x768xf32, #tpu.memory_space<vmem>>
    %dma_wait3A_725 = arith.constant 0 : i32
    %dma_wait3A_726 = tpu.memref_slice %arg4[%add3A_658, %dma_wait3A_725] : memref<9216x768xf32, #tpu.memory_space<hbm>> -> memref<16x768xf32, #tpu.memory_space<hbm>>
    %dma_wait3A_727 = arith.constant 0 : i32
    %dma_wait3A_728 = tpu.memref_slice %arg4[%add3A_658, %dma_wait3A_727] : memref<9216x768xf32, #tpu.memory_space<hbm>> -> memref<16x768xf32, #tpu.memory_space<hbm>>
    %dma_wait3A_729 = arith.constant 0 : i32
    %dma_wait3A_730 = arith.constant 0 : i32
    %dma_wait3A_731 = tpu.memref_slice %arg7[%dma_wait3A_720, %dma_wait3A_729, %dma_wait3A_730] : memref<6x16x768xf32, #tpu.memory_space<vmem>> -> memref<1x16x768xf32, #tpu.memory_space<vmem>>
    %dma_wait3A_732 = tpu.memref_squeeze %dma_wait3A_731 : memref<1x16x768xf32, #tpu.memory_space<vmem>> -> memref<16x768xf32, #tpu.memory_space<vmem>>
    tpu.wait_dma2 semaphore(%arg10 : memref<!tpu.dma_semaphore, #tpu.memory_space<semaphore_mem>>) src(%dma_wait3A_732 : memref<16x768xf32, #tpu.memory_space<vmem>>) dst(%dma_wait3A_728 : memref<16x768xf32, #tpu.memory_space<hbm>>)
    %dma_start3A_733 = arith.constant 0 : i32
    %dma_start3A_734 = arith.constant 0 : i32
    %dma_start3A_735 = arith.constant 0 : i32
    %dma_start3A_736 = tpu.memref_slice %arg7[%dma_start3A_733, %dma_start3A_734, %dma_start3A_735] : memref<6x16x768xf32, #tpu.memory_space<vmem>> -> memref<1x16x768xf32, #tpu.memory_space<vmem>>
    %dma_start3A_737 = tpu.memref_squeeze %dma_start3A_736 : memref<1x16x768xf32, #tpu.memory_space<vmem>> -> memref<16x768xf32, #tpu.memory_space<vmem>>
    %dma_start3A_738 = arith.constant 192 : i32
    %dma_start3A_739 = tpu.memref_slice %arg6[%dma_start3A_738] : memref<288xi32, #tpu.memory_space<vmem>> -> memref<16xi32, #tpu.memory_space<vmem>>
    %dma_start3A_740 = arith.constant 0 : i32
    %dma_start3A_741 = arith.constant 0 : i32
    %dma_start3A_742 = tpu.memref_slice %arg2[%dma_start3A_740, %dma_start3A_741] : memref<36864x768xf32, #tpu.memory_space<hbm>> -> memref<36864x768xf32, #tpu.memory_space<hbm>>
    tpu.enqueue_indirect_dma source(%dma_start3A_742 : memref<36864x768xf32, #tpu.memory_space<hbm>>) target(%dma_start3A_737 : memref<16x768xf32, #tpu.memory_space<vmem>>) offsets(%dma_start3A_739 : memref<16xi32, #tpu.memory_space<vmem>>) semaphore(%arg8 : memref<!tpu.dma_semaphore, #tpu.memory_space<semaphore_mem>>)
    %dma_wait3A_743 = arith.constant 2 : i32
    %dma_wait3A_744 = arith.constant 0 : i32
    %dma_wait3A_745 = arith.constant 0 : i32
    %dma_wait3A_746 = tpu.memref_slice %arg7[%dma_wait3A_743, %dma_wait3A_744, %dma_wait3A_745] : memref<6x16x768xf32, #tpu.memory_space<vmem>> -> memref<1x16x768xf32, #tpu.memory_space<vmem>>
    %dma_wait3A_747 = tpu.memref_squeeze %dma_wait3A_746 : memref<1x16x768xf32, #tpu.memory_space<vmem>> -> memref<16x768xf32, #tpu.memory_space<vmem>>
    %dma_wait3A_748 = arith.constant 128 : i32
    %dma_wait3A_749 = tpu.memref_slice %arg6[%dma_wait3A_748] : memref<288xi32, #tpu.memory_space<vmem>> -> memref<16xi32, #tpu.memory_space<vmem>>
    %dma_wait3A_750 = arith.constant 0 : i32
    %dma_wait3A_751 = arith.constant 0 : i32
    %dma_wait3A_752 = tpu.memref_slice %arg2[%dma_wait3A_750, %dma_wait3A_751] : memref<36864x768xf32, #tpu.memory_space<hbm>> -> memref<36864x768xf32, #tpu.memory_space<hbm>>
    tpu.wait_indirect_dma semaphore(%arg8 : memref<!tpu.dma_semaphore, #tpu.memory_space<semaphore_mem>>) src(%dma_wait3A_752 : memref<36864x768xf32, #tpu.memory_space<hbm>>) dst(%dma_wait3A_747 : memref<16x768xf32, #tpu.memory_space<vmem>>)
    %add3A_753 = arith.constant 128 : i32
    %add3A_754 = arith.addi %mul3A_2, %add3A_753 : i32
    %dma_start3A_755 = arith.constant 2 : i32
    %dma_start3A_756 = arith.constant 0 : i32
    %dma_start3A_757 = arith.constant 0 : i32
    %dma_start3A_758 = tpu.memref_slice %arg7[%dma_start3A_755, %dma_start3A_756, %dma_start3A_757] : memref<6x16x768xf32, #tpu.memory_space<vmem>> -> memref<1x16x768xf32, #tpu.memory_space<vmem>>
    %dma_start3A_759 = tpu.memref_squeeze %dma_start3A_758 : memref<1x16x768xf32, #tpu.memory_space<vmem>> -> memref<16x768xf32, #tpu.memory_space<vmem>>
    %dma_start3A_760 = arith.constant 0 : i32
    %dma_start3A_761 = tpu.memref_slice %arg4[%add3A_754, %dma_start3A_760] : memref<9216x768xf32, #tpu.memory_space<hbm>> -> memref<16x768xf32, #tpu.memory_space<hbm>>
    %dma_start3A_762 = arith.constant 0 : i32
    %dma_start3A_763 = tpu.memref_slice %arg4[%add3A_754, %dma_start3A_762] : memref<9216x768xf32, #tpu.memory_space<hbm>> -> memref<16x768xf32, #tpu.memory_space<hbm>>
    %dma_start3A_764 = arith.constant 0 : i32
    %dma_start3A_765 = arith.constant 0 : i32
    %dma_start3A_766 = tpu.memref_slice %arg7[%dma_start3A_755, %dma_start3A_764, %dma_start3A_765] : memref<6x16x768xf32, #tpu.memory_space<vmem>> -> memref<1x16x768xf32, #tpu.memory_space<vmem>>
    %dma_start3A_767 = tpu.memref_squeeze %dma_start3A_766 : memref<1x16x768xf32, #tpu.memory_space<vmem>> -> memref<16x768xf32, #tpu.memory_space<vmem>>
    tpu.enqueue_dma source(%dma_start3A_767 : memref<16x768xf32, #tpu.memory_space<vmem>>) target(%dma_start3A_763 : memref<16x768xf32, #tpu.memory_space<hbm>>) target_semaphore(%arg10 : memref<!tpu.dma_semaphore, #tpu.memory_space<semaphore_mem>>)
    %dma_wait3A_768 = arith.constant 1 : i32
    %dma_wait3A_769 = arith.constant 0 : i32
    %dma_wait3A_770 = arith.constant 0 : i32
    %dma_wait3A_771 = tpu.memref_slice %arg7[%dma_wait3A_768, %dma_wait3A_769, %dma_wait3A_770] : memref<6x16x768xf32, #tpu.memory_space<vmem>> -> memref<1x16x768xf32, #tpu.memory_space<vmem>>
    %dma_wait3A_772 = tpu.memref_squeeze %dma_wait3A_771 : memref<1x16x768xf32, #tpu.memory_space<vmem>> -> memref<16x768xf32, #tpu.memory_space<vmem>>
    %dma_wait3A_773 = arith.constant 0 : i32
    %dma_wait3A_774 = tpu.memref_slice %arg4[%add3A_706, %dma_wait3A_773] : memref<9216x768xf32, #tpu.memory_space<hbm>> -> memref<16x768xf32, #tpu.memory_space<hbm>>
    %dma_wait3A_775 = arith.constant 0 : i32
    %dma_wait3A_776 = tpu.memref_slice %arg4[%add3A_706, %dma_wait3A_775] : memref<9216x768xf32, #tpu.memory_space<hbm>> -> memref<16x768xf32, #tpu.memory_space<hbm>>
    %dma_wait3A_777 = arith.constant 0 : i32
    %dma_wait3A_778 = arith.constant 0 : i32
    %dma_wait3A_779 = tpu.memref_slice %arg7[%dma_wait3A_768, %dma_wait3A_777, %dma_wait3A_778] : memref<6x16x768xf32, #tpu.memory_space<vmem>> -> memref<1x16x768xf32, #tpu.memory_space<vmem>>
    %dma_wait3A_780 = tpu.memref_squeeze %dma_wait3A_779 : memref<1x16x768xf32, #tpu.memory_space<vmem>> -> memref<16x768xf32, #tpu.memory_space<vmem>>
    tpu.wait_dma2 semaphore(%arg11 : memref<!tpu.dma_semaphore, #tpu.memory_space<semaphore_mem>>) src(%dma_wait3A_780 : memref<16x768xf32, #tpu.memory_space<vmem>>) dst(%dma_wait3A_776 : memref<16x768xf32, #tpu.memory_space<hbm>>)
    %dma_start3A_781 = arith.constant 1 : i32
    %dma_start3A_782 = arith.constant 0 : i32
    %dma_start3A_783 = arith.constant 0 : i32
    %dma_start3A_784 = tpu.memref_slice %arg7[%dma_start3A_781, %dma_start3A_782, %dma_start3A_783] : memref<6x16x768xf32, #tpu.memory_space<vmem>> -> memref<1x16x768xf32, #tpu.memory_space<vmem>>
    %dma_start3A_785 = tpu.memref_squeeze %dma_start3A_784 : memref<1x16x768xf32, #tpu.memory_space<vmem>> -> memref<16x768xf32, #tpu.memory_space<vmem>>
    %dma_start3A_786 = arith.constant 208 : i32
    %dma_start3A_787 = tpu.memref_slice %arg6[%dma_start3A_786] : memref<288xi32, #tpu.memory_space<vmem>> -> memref<16xi32, #tpu.memory_space<vmem>>
    %dma_start3A_788 = arith.constant 0 : i32
    %dma_start3A_789 = arith.constant 0 : i32
    %dma_start3A_790 = tpu.memref_slice %arg2[%dma_start3A_788, %dma_start3A_789] : memref<36864x768xf32, #tpu.memory_space<hbm>> -> memref<36864x768xf32, #tpu.memory_space<hbm>>
    tpu.enqueue_indirect_dma source(%dma_start3A_790 : memref<36864x768xf32, #tpu.memory_space<hbm>>) target(%dma_start3A_785 : memref<16x768xf32, #tpu.memory_space<vmem>>) offsets(%dma_start3A_787 : memref<16xi32, #tpu.memory_space<vmem>>) semaphore(%arg9 : memref<!tpu.dma_semaphore, #tpu.memory_space<semaphore_mem>>)
    %dma_wait3A_791 = arith.constant 3 : i32
    %dma_wait3A_792 = arith.constant 0 : i32
    %dma_wait3A_793 = arith.constant 0 : i32
    %dma_wait3A_794 = tpu.memref_slice %arg7[%dma_wait3A_791, %dma_wait3A_792, %dma_wait3A_793] : memref<6x16x768xf32, #tpu.memory_space<vmem>> -> memref<1x16x768xf32, #tpu.memory_space<vmem>>
    %dma_wait3A_795 = tpu.memref_squeeze %dma_wait3A_794 : memref<1x16x768xf32, #tpu.memory_space<vmem>> -> memref<16x768xf32, #tpu.memory_space<vmem>>
    %dma_wait3A_796 = arith.constant 144 : i32
    %dma_wait3A_797 = tpu.memref_slice %arg6[%dma_wait3A_796] : memref<288xi32, #tpu.memory_space<vmem>> -> memref<16xi32, #tpu.memory_space<vmem>>
    %dma_wait3A_798 = arith.constant 0 : i32
    %dma_wait3A_799 = arith.constant 0 : i32
    %dma_wait3A_800 = tpu.memref_slice %arg2[%dma_wait3A_798, %dma_wait3A_799] : memref<36864x768xf32, #tpu.memory_space<hbm>> -> memref<36864x768xf32, #tpu.memory_space<hbm>>
    tpu.wait_indirect_dma semaphore(%arg9 : memref<!tpu.dma_semaphore, #tpu.memory_space<semaphore_mem>>) src(%dma_wait3A_800 : memref<36864x768xf32, #tpu.memory_space<hbm>>) dst(%dma_wait3A_795 : memref<16x768xf32, #tpu.memory_space<vmem>>)
    %add3A_801 = arith.constant 144 : i32
    %add3A_802 = arith.addi %mul3A_2, %add3A_801 : i32
    %dma_start3A_803 = arith.constant 3 : i32
    %dma_start3A_804 = arith.constant 0 : i32
    %dma_start3A_805 = arith.constant 0 : i32
    %dma_start3A_806 = tpu.memref_slice %arg7[%dma_start3A_803, %dma_start3A_804, %dma_start3A_805] : memref<6x16x768xf32, #tpu.memory_space<vmem>> -> memref<1x16x768xf32, #tpu.memory_space<vmem>>
    %dma_start3A_807 = tpu.memref_squeeze %dma_start3A_806 : memref<1x16x768xf32, #tpu.memory_space<vmem>> -> memref<16x768xf32, #tpu.memory_space<vmem>>
    %dma_start3A_808 = arith.constant 0 : i32
    %dma_start3A_809 = tpu.memref_slice %arg4[%add3A_802, %dma_start3A_808] : memref<9216x768xf32, #tpu.memory_space<hbm>> -> memref<16x768xf32, #tpu.memory_space<hbm>>
    %dma_start3A_810 = arith.constant 0 : i32
    %dma_start3A_811 = tpu.memref_slice %arg4[%add3A_802, %dma_start3A_810] : memref<9216x768xf32, #tpu.memory_space<hbm>> -> memref<16x768xf32, #tpu.memory_space<hbm>>
    %dma_start3A_812 = arith.constant 0 : i32
    %dma_start3A_813 = arith.constant 0 : i32
    %dma_start3A_814 = tpu.memref_slice %arg7[%dma_start3A_803, %dma_start3A_812, %dma_start3A_813] : memref<6x16x768xf32, #tpu.memory_space<vmem>> -> memref<1x16x768xf32, #tpu.memory_space<vmem>>
    %dma_start3A_815 = tpu.memref_squeeze %dma_start3A_814 : memref<1x16x768xf32, #tpu.memory_space<vmem>> -> memref<16x768xf32, #tpu.memory_space<vmem>>
    tpu.enqueue_dma source(%dma_start3A_815 : memref<16x768xf32, #tpu.memory_space<vmem>>) target(%dma_start3A_811 : memref<16x768xf32, #tpu.memory_space<hbm>>) target_semaphore(%arg11 : memref<!tpu.dma_semaphore, #tpu.memory_space<semaphore_mem>>)
    %dma_wait3A_816 = arith.constant 2 : i32
    %dma_wait3A_817 = arith.constant 0 : i32
    %dma_wait3A_818 = arith.constant 0 : i32
    %dma_wait3A_819 = tpu.memref_slice %arg7[%dma_wait3A_816, %dma_wait3A_817, %dma_wait3A_818] : memref<6x16x768xf32, #tpu.memory_space<vmem>> -> memref<1x16x768xf32, #tpu.memory_space<vmem>>
    %dma_wait3A_820 = tpu.memref_squeeze %dma_wait3A_819 : memref<1x16x768xf32, #tpu.memory_space<vmem>> -> memref<16x768xf32, #tpu.memory_space<vmem>>
    %dma_wait3A_821 = arith.constant 0 : i32
    %dma_wait3A_822 = tpu.memref_slice %arg4[%add3A_754, %dma_wait3A_821] : memref<9216x768xf32, #tpu.memory_space<hbm>> -> memref<16x768xf32, #tpu.memory_space<hbm>>
    %dma_wait3A_823 = arith.constant 0 : i32
    %dma_wait3A_824 = tpu.memref_slice %arg4[%add3A_754, %dma_wait3A_823] : memref<9216x768xf32, #tpu.memory_space<hbm>> -> memref<16x768xf32, #tpu.memory_space<hbm>>
    %dma_wait3A_825 = arith.constant 0 : i32
    %dma_wait3A_826 = arith.constant 0 : i32
    %dma_wait3A_827 = tpu.memref_slice %arg7[%dma_wait3A_816, %dma_wait3A_825, %dma_wait3A_826] : memref<6x16x768xf32, #tpu.memory_space<vmem>> -> memref<1x16x768xf32, #tpu.memory_space<vmem>>
    %dma_wait3A_828 = tpu.memref_squeeze %dma_wait3A_827 : memref<1x16x768xf32, #tpu.memory_space<vmem>> -> memref<16x768xf32, #tpu.memory_space<vmem>>
    tpu.wait_dma2 semaphore(%arg10 : memref<!tpu.dma_semaphore, #tpu.memory_space<semaphore_mem>>) src(%dma_wait3A_828 : memref<16x768xf32, #tpu.memory_space<vmem>>) dst(%dma_wait3A_824 : memref<16x768xf32, #tpu.memory_space<hbm>>)
    %dma_start3A_829 = arith.constant 2 : i32
    %dma_start3A_830 = arith.constant 0 : i32
    %dma_start3A_831 = arith.constant 0 : i32
    %dma_start3A_832 = tpu.memref_slice %arg7[%dma_start3A_829, %dma_start3A_830, %dma_start3A_831] : memref<6x16x768xf32, #tpu.memory_space<vmem>> -> memref<1x16x768xf32, #tpu.memory_space<vmem>>
    %dma_start3A_833 = tpu.memref_squeeze %dma_start3A_832 : memref<1x16x768xf32, #tpu.memory_space<vmem>> -> memref<16x768xf32, #tpu.memory_space<vmem>>
    %dma_start3A_834 = arith.constant 224 : i32
    %dma_start3A_835 = tpu.memref_slice %arg6[%dma_start3A_834] : memref<288xi32, #tpu.memory_space<vmem>> -> memref<16xi32, #tpu.memory_space<vmem>>
    %dma_start3A_836 = arith.constant 0 : i32
    %dma_start3A_837 = arith.constant 0 : i32
    %dma_start3A_838 = tpu.memref_slice %arg2[%dma_start3A_836, %dma_start3A_837] : memref<36864x768xf32, #tpu.memory_space<hbm>> -> memref<36864x768xf32, #tpu.memory_space<hbm>>
    tpu.enqueue_indirect_dma source(%dma_start3A_838 : memref<36864x768xf32, #tpu.memory_space<hbm>>) target(%dma_start3A_833 : memref<16x768xf32, #tpu.memory_space<vmem>>) offsets(%dma_start3A_835 : memref<16xi32, #tpu.memory_space<vmem>>) semaphore(%arg8 : memref<!tpu.dma_semaphore, #tpu.memory_space<semaphore_mem>>)
    %dma_wait3A_839 = arith.constant 4 : i32
    %dma_wait3A_840 = arith.constant 0 : i32
    %dma_wait3A_841 = arith.constant 0 : i32
    %dma_wait3A_842 = tpu.memref_slice %arg7[%dma_wait3A_839, %dma_wait3A_840, %dma_wait3A_841] : memref<6x16x768xf32, #tpu.memory_space<vmem>> -> memref<1x16x768xf32, #tpu.memory_space<vmem>>
    %dma_wait3A_843 = tpu.memref_squeeze %dma_wait3A_842 : memref<1x16x768xf32, #tpu.memory_space<vmem>> -> memref<16x768xf32, #tpu.memory_space<vmem>>
    %dma_wait3A_844 = arith.constant 160 : i32
    %dma_wait3A_845 = tpu.memref_slice %arg6[%dma_wait3A_844] : memref<288xi32, #tpu.memory_space<vmem>> -> memref<16xi32, #tpu.memory_space<vmem>>
    %dma_wait3A_846 = arith.constant 0 : i32
    %dma_wait3A_847 = arith.constant 0 : i32
    %dma_wait3A_848 = tpu.memref_slice %arg2[%dma_wait3A_846, %dma_wait3A_847] : memref<36864x768xf32, #tpu.memory_space<hbm>> -> memref<36864x768xf32, #tpu.memory_space<hbm>>
    tpu.wait_indirect_dma semaphore(%arg8 : memref<!tpu.dma_semaphore, #tpu.memory_space<semaphore_mem>>) src(%dma_wait3A_848 : memref<36864x768xf32, #tpu.memory_space<hbm>>) dst(%dma_wait3A_843 : memref<16x768xf32, #tpu.memory_space<vmem>>)
    %add3A_849 = arith.constant 160 : i32
    %add3A_850 = arith.addi %mul3A_2, %add3A_849 : i32
    %dma_start3A_851 = arith.constant 4 : i32
    %dma_start3A_852 = arith.constant 0 : i32
    %dma_start3A_853 = arith.constant 0 : i32
    %dma_start3A_854 = tpu.memref_slice %arg7[%dma_start3A_851, %dma_start3A_852, %dma_start3A_853] : memref<6x16x768xf32, #tpu.memory_space<vmem>> -> memref<1x16x768xf32, #tpu.memory_space<vmem>>
    %dma_start3A_855 = tpu.memref_squeeze %dma_start3A_854 : memref<1x16x768xf32, #tpu.memory_space<vmem>> -> memref<16x768xf32, #tpu.memory_space<vmem>>
    %dma_start3A_856 = arith.constant 0 : i32
    %dma_start3A_857 = tpu.memref_slice %arg4[%add3A_850, %dma_start3A_856] : memref<9216x768xf32, #tpu.memory_space<hbm>> -> memref<16x768xf32, #tpu.memory_space<hbm>>
    %dma_start3A_858 = arith.constant 0 : i32
    %dma_start3A_859 = tpu.memref_slice %arg4[%add3A_850, %dma_start3A_858] : memref<9216x768xf32, #tpu.memory_space<hbm>> -> memref<16x768xf32, #tpu.memory_space<hbm>>
    %dma_start3A_860 = arith.constant 0 : i32
    %dma_start3A_861 = arith.constant 0 : i32
    %dma_start3A_862 = tpu.memref_slice %arg7[%dma_start3A_851, %dma_start3A_860, %dma_start3A_861] : memref<6x16x768xf32, #tpu.memory_space<vmem>> -> memref<1x16x768xf32, #tpu.memory_space<vmem>>
    %dma_start3A_863 = tpu.memref_squeeze %dma_start3A_862 : memref<1x16x768xf32, #tpu.memory_space<vmem>> -> memref<16x768xf32, #tpu.memory_space<vmem>>
    tpu.enqueue_dma source(%dma_start3A_863 : memref<16x768xf32, #tpu.memory_space<vmem>>) target(%dma_start3A_859 : memref<16x768xf32, #tpu.memory_space<hbm>>) target_semaphore(%arg10 : memref<!tpu.dma_semaphore, #tpu.memory_space<semaphore_mem>>)
    %dma_wait3A_864 = arith.constant 3 : i32
    %dma_wait3A_865 = arith.constant 0 : i32
    %dma_wait3A_866 = arith.constant 0 : i32
    %dma_wait3A_867 = tpu.memref_slice %arg7[%dma_wait3A_864, %dma_wait3A_865, %dma_wait3A_866] : memref<6x16x768xf32, #tpu.memory_space<vmem>> -> memref<1x16x768xf32, #tpu.memory_space<vmem>>
    %dma_wait3A_868 = tpu.memref_squeeze %dma_wait3A_867 : memref<1x16x768xf32, #tpu.memory_space<vmem>> -> memref<16x768xf32, #tpu.memory_space<vmem>>
    %dma_wait3A_869 = arith.constant 0 : i32
    %dma_wait3A_870 = tpu.memref_slice %arg4[%add3A_802, %dma_wait3A_869] : memref<9216x768xf32, #tpu.memory_space<hbm>> -> memref<16x768xf32, #tpu.memory_space<hbm>>
    %dma_wait3A_871 = arith.constant 0 : i32
    %dma_wait3A_872 = tpu.memref_slice %arg4[%add3A_802, %dma_wait3A_871] : memref<9216x768xf32, #tpu.memory_space<hbm>> -> memref<16x768xf32, #tpu.memory_space<hbm>>
    %dma_wait3A_873 = arith.constant 0 : i32
    %dma_wait3A_874 = arith.constant 0 : i32
    %dma_wait3A_875 = tpu.memref_slice %arg7[%dma_wait3A_864, %dma_wait3A_873, %dma_wait3A_874] : memref<6x16x768xf32, #tpu.memory_space<vmem>> -> memref<1x16x768xf32, #tpu.memory_space<vmem>>
    %dma_wait3A_876 = tpu.memref_squeeze %dma_wait3A_875 : memref<1x16x768xf32, #tpu.memory_space<vmem>> -> memref<16x768xf32, #tpu.memory_space<vmem>>
    tpu.wait_dma2 semaphore(%arg11 : memref<!tpu.dma_semaphore, #tpu.memory_space<semaphore_mem>>) src(%dma_wait3A_876 : memref<16x768xf32, #tpu.memory_space<vmem>>) dst(%dma_wait3A_872 : memref<16x768xf32, #tpu.memory_space<hbm>>)
    %dma_start3A_877 = arith.constant 3 : i32
    %dma_start3A_878 = arith.constant 0 : i32
    %dma_start3A_879 = arith.constant 0 : i32
    %dma_start3A_880 = tpu.memref_slice %arg7[%dma_start3A_877, %dma_start3A_878, %dma_start3A_879] : memref<6x16x768xf32, #tpu.memory_space<vmem>> -> memref<1x16x768xf32, #tpu.memory_space<vmem>>
    %dma_start3A_881 = tpu.memref_squeeze %dma_start3A_880 : memref<1x16x768xf32, #tpu.memory_space<vmem>> -> memref<16x768xf32, #tpu.memory_space<vmem>>
    %dma_start3A_882 = arith.constant 240 : i32
    %dma_start3A_883 = tpu.memref_slice %arg6[%dma_start3A_882] : memref<288xi32, #tpu.memory_space<vmem>> -> memref<16xi32, #tpu.memory_space<vmem>>
    %dma_start3A_884 = arith.constant 0 : i32
    %dma_start3A_885 = arith.constant 0 : i32
    %dma_start3A_886 = tpu.memref_slice %arg2[%dma_start3A_884, %dma_start3A_885] : memref<36864x768xf32, #tpu.memory_space<hbm>> -> memref<36864x768xf32, #tpu.memory_space<hbm>>
    tpu.enqueue_indirect_dma source(%dma_start3A_886 : memref<36864x768xf32, #tpu.memory_space<hbm>>) target(%dma_start3A_881 : memref<16x768xf32, #tpu.memory_space<vmem>>) offsets(%dma_start3A_883 : memref<16xi32, #tpu.memory_space<vmem>>) semaphore(%arg9 : memref<!tpu.dma_semaphore, #tpu.memory_space<semaphore_mem>>)
    %dma_wait3A_887 = arith.constant 5 : i32
    %dma_wait3A_888 = arith.constant 0 : i32
    %dma_wait3A_889 = arith.constant 0 : i32
    %dma_wait3A_890 = tpu.memref_slice %arg7[%dma_wait3A_887, %dma_wait3A_888, %dma_wait3A_889] : memref<6x16x768xf32, #tpu.memory_space<vmem>> -> memref<1x16x768xf32, #tpu.memory_space<vmem>>
    %dma_wait3A_891 = tpu.memref_squeeze %dma_wait3A_890 : memref<1x16x768xf32, #tpu.memory_space<vmem>> -> memref<16x768xf32, #tpu.memory_space<vmem>>
    %dma_wait3A_892 = arith.constant 176 : i32
    %dma_wait3A_893 = tpu.memref_slice %arg6[%dma_wait3A_892] : memref<288xi32, #tpu.memory_space<vmem>> -> memref<16xi32, #tpu.memory_space<vmem>>
    %dma_wait3A_894 = arith.constant 0 : i32
    %dma_wait3A_895 = arith.constant 0 : i32
    %dma_wait3A_896 = tpu.memref_slice %arg2[%dma_wait3A_894, %dma_wait3A_895] : memref<36864x768xf32, #tpu.memory_space<hbm>> -> memref<36864x768xf32, #tpu.memory_space<hbm>>
    tpu.wait_indirect_dma semaphore(%arg9 : memref<!tpu.dma_semaphore, #tpu.memory_space<semaphore_mem>>) src(%dma_wait3A_896 : memref<36864x768xf32, #tpu.memory_space<hbm>>) dst(%dma_wait3A_891 : memref<16x768xf32, #tpu.memory_space<vmem>>)
    %add3A_897 = arith.constant 176 : i32
    %add3A_898 = arith.addi %mul3A_2, %add3A_897 : i32
    %dma_start3A_899 = arith.constant 5 : i32
    %dma_start3A_900 = arith.constant 0 : i32
    %dma_start3A_901 = arith.constant 0 : i32
    %dma_start3A_902 = tpu.memref_slice %arg7[%dma_start3A_899, %dma_start3A_900, %dma_start3A_901] : memref<6x16x768xf32, #tpu.memory_space<vmem>> -> memref<1x16x768xf32, #tpu.memory_space<vmem>>
    %dma_start3A_903 = tpu.memref_squeeze %dma_start3A_902 : memref<1x16x768xf32, #tpu.memory_space<vmem>> -> memref<16x768xf32, #tpu.memory_space<vmem>>
    %dma_start3A_904 = arith.constant 0 : i32
    %dma_start3A_905 = tpu.memref_slice %arg4[%add3A_898, %dma_start3A_904] : memref<9216x768xf32, #tpu.memory_space<hbm>> -> memref<16x768xf32, #tpu.memory_space<hbm>>
    %dma_start3A_906 = arith.constant 0 : i32
    %dma_start3A_907 = tpu.memref_slice %arg4[%add3A_898, %dma_start3A_906] : memref<9216x768xf32, #tpu.memory_space<hbm>> -> memref<16x768xf32, #tpu.memory_space<hbm>>
    %dma_start3A_908 = arith.constant 0 : i32
    %dma_start3A_909 = arith.constant 0 : i32
    %dma_start3A_910 = tpu.memref_slice %arg7[%dma_start3A_899, %dma_start3A_908, %dma_start3A_909] : memref<6x16x768xf32, #tpu.memory_space<vmem>> -> memref<1x16x768xf32, #tpu.memory_space<vmem>>
    %dma_start3A_911 = tpu.memref_squeeze %dma_start3A_910 : memref<1x16x768xf32, #tpu.memory_space<vmem>> -> memref<16x768xf32, #tpu.memory_space<vmem>>
    tpu.enqueue_dma source(%dma_start3A_911 : memref<16x768xf32, #tpu.memory_space<vmem>>) target(%dma_start3A_907 : memref<16x768xf32, #tpu.memory_space<hbm>>) target_semaphore(%arg11 : memref<!tpu.dma_semaphore, #tpu.memory_space<semaphore_mem>>)
    %dma_wait3A_912 = arith.constant 4 : i32
    %dma_wait3A_913 = arith.constant 0 : i32
    %dma_wait3A_914 = arith.constant 0 : i32
    %dma_wait3A_915 = tpu.memref_slice %arg7[%dma_wait3A_912, %dma_wait3A_913, %dma_wait3A_914] : memref<6x16x768xf32, #tpu.memory_space<vmem>> -> memref<1x16x768xf32, #tpu.memory_space<vmem>>
    %dma_wait3A_916 = tpu.memref_squeeze %dma_wait3A_915 : memref<1x16x768xf32, #tpu.memory_space<vmem>> -> memref<16x768xf32, #tpu.memory_space<vmem>>
    %dma_wait3A_917 = arith.constant 0 : i32
    %dma_wait3A_918 = tpu.memref_slice %arg4[%add3A_850, %dma_wait3A_917] : memref<9216x768xf32, #tpu.memory_space<hbm>> -> memref<16x768xf32, #tpu.memory_space<hbm>>
    %dma_wait3A_919 = arith.constant 0 : i32
    %dma_wait3A_920 = tpu.memref_slice %arg4[%add3A_850, %dma_wait3A_919] : memref<9216x768xf32, #tpu.memory_space<hbm>> -> memref<16x768xf32, #tpu.memory_space<hbm>>
    %dma_wait3A_921 = arith.constant 0 : i32
    %dma_wait3A_922 = arith.constant 0 : i32
    %dma_wait3A_923 = tpu.memref_slice %arg7[%dma_wait3A_912, %dma_wait3A_921, %dma_wait3A_922] : memref<6x16x768xf32, #tpu.memory_space<vmem>> -> memref<1x16x768xf32, #tpu.memory_space<vmem>>
    %dma_wait3A_924 = tpu.memref_squeeze %dma_wait3A_923 : memref<1x16x768xf32, #tpu.memory_space<vmem>> -> memref<16x768xf32, #tpu.memory_space<vmem>>
    tpu.wait_dma2 semaphore(%arg10 : memref<!tpu.dma_semaphore, #tpu.memory_space<semaphore_mem>>) src(%dma_wait3A_924 : memref<16x768xf32, #tpu.memory_space<vmem>>) dst(%dma_wait3A_920 : memref<16x768xf32, #tpu.memory_space<hbm>>)
    %dma_start3A_925 = arith.constant 4 : i32
    %dma_start3A_926 = arith.constant 0 : i32
    %dma_start3A_927 = arith.constant 0 : i32
    %dma_start3A_928 = tpu.memref_slice %arg7[%dma_start3A_925, %dma_start3A_926, %dma_start3A_927] : memref<6x16x768xf32, #tpu.memory_space<vmem>> -> memref<1x16x768xf32, #tpu.memory_space<vmem>>
    %dma_start3A_929 = tpu.memref_squeeze %dma_start3A_928 : memref<1x16x768xf32, #tpu.memory_space<vmem>> -> memref<16x768xf32, #tpu.memory_space<vmem>>
    %dma_start3A_930 = arith.constant 256 : i32
    %dma_start3A_931 = tpu.memref_slice %arg6[%dma_start3A_930] : memref<288xi32, #tpu.memory_space<vmem>> -> memref<16xi32, #tpu.memory_space<vmem>>
    %dma_start3A_932 = arith.constant 0 : i32
    %dma_start3A_933 = arith.constant 0 : i32
    %dma_start3A_934 = tpu.memref_slice %arg2[%dma_start3A_932, %dma_start3A_933] : memref<36864x768xf32, #tpu.memory_space<hbm>> -> memref<36864x768xf32, #tpu.memory_space<hbm>>
    tpu.enqueue_indirect_dma source(%dma_start3A_934 : memref<36864x768xf32, #tpu.memory_space<hbm>>) target(%dma_start3A_929 : memref<16x768xf32, #tpu.memory_space<vmem>>) offsets(%dma_start3A_931 : memref<16xi32, #tpu.memory_space<vmem>>) semaphore(%arg8 : memref<!tpu.dma_semaphore, #tpu.memory_space<semaphore_mem>>)
    %dma_wait3A_935 = arith.constant 0 : i32
    %dma_wait3A_936 = arith.constant 0 : i32
    %dma_wait3A_937 = arith.constant 0 : i32
    %dma_wait3A_938 = tpu.memref_slice %arg7[%dma_wait3A_935, %dma_wait3A_936, %dma_wait3A_937] : memref<6x16x768xf32, #tpu.memory_space<vmem>> -> memref<1x16x768xf32, #tpu.memory_space<vmem>>
    %dma_wait3A_939 = tpu.memref_squeeze %dma_wait3A_938 : memref<1x16x768xf32, #tpu.memory_space<vmem>> -> memref<16x768xf32, #tpu.memory_space<vmem>>
    %dma_wait3A_940 = arith.constant 192 : i32
    %dma_wait3A_941 = tpu.memref_slice %arg6[%dma_wait3A_940] : memref<288xi32, #tpu.memory_space<vmem>> -> memref<16xi32, #tpu.memory_space<vmem>>
    %dma_wait3A_942 = arith.constant 0 : i32
    %dma_wait3A_943 = arith.constant 0 : i32
    %dma_wait3A_944 = tpu.memref_slice %arg2[%dma_wait3A_942, %dma_wait3A_943] : memref<36864x768xf32, #tpu.memory_space<hbm>> -> memref<36864x768xf32, #tpu.memory_space<hbm>>
    tpu.wait_indirect_dma semaphore(%arg8 : memref<!tpu.dma_semaphore, #tpu.memory_space<semaphore_mem>>) src(%dma_wait3A_944 : memref<36864x768xf32, #tpu.memory_space<hbm>>) dst(%dma_wait3A_939 : memref<16x768xf32, #tpu.memory_space<vmem>>)
    %add3A_945 = arith.constant 192 : i32
    %add3A_946 = arith.addi %mul3A_2, %add3A_945 : i32
    %dma_start3A_947 = arith.constant 0 : i32
    %dma_start3A_948 = arith.constant 0 : i32
    %dma_start3A_949 = arith.constant 0 : i32
    %dma_start3A_950 = tpu.memref_slice %arg7[%dma_start3A_947, %dma_start3A_948, %dma_start3A_949] : memref<6x16x768xf32, #tpu.memory_space<vmem>> -> memref<1x16x768xf32, #tpu.memory_space<vmem>>
    %dma_start3A_951 = tpu.memref_squeeze %dma_start3A_950 : memref<1x16x768xf32, #tpu.memory_space<vmem>> -> memref<16x768xf32, #tpu.memory_space<vmem>>
    %dma_start3A_952 = arith.constant 0 : i32
    %dma_start3A_953 = tpu.memref_slice %arg4[%add3A_946, %dma_start3A_952] : memref<9216x768xf32, #tpu.memory_space<hbm>> -> memref<16x768xf32, #tpu.memory_space<hbm>>
    %dma_start3A_954 = arith.constant 0 : i32
    %dma_start3A_955 = tpu.memref_slice %arg4[%add3A_946, %dma_start3A_954] : memref<9216x768xf32, #tpu.memory_space<hbm>> -> memref<16x768xf32, #tpu.memory_space<hbm>>
    %dma_start3A_956 = arith.constant 0 : i32
    %dma_start3A_957 = arith.constant 0 : i32
    %dma_start3A_958 = tpu.memref_slice %arg7[%dma_start3A_947, %dma_start3A_956, %dma_start3A_957] : memref<6x16x768xf32, #tpu.memory_space<vmem>> -> memref<1x16x768xf32, #tpu.memory_space<vmem>>
    %dma_start3A_959 = tpu.memref_squeeze %dma_start3A_958 : memref<1x16x768xf32, #tpu.memory_space<vmem>> -> memref<16x768xf32, #tpu.memory_space<vmem>>
    tpu.enqueue_dma source(%dma_start3A_959 : memref<16x768xf32, #tpu.memory_space<vmem>>) target(%dma_start3A_955 : memref<16x768xf32, #tpu.memory_space<hbm>>) target_semaphore(%arg10 : memref<!tpu.dma_semaphore, #tpu.memory_space<semaphore_mem>>)
    %dma_wait3A_960 = arith.constant 5 : i32
    %dma_wait3A_961 = arith.constant 0 : i32
    %dma_wait3A_962 = arith.constant 0 : i32
    %dma_wait3A_963 = tpu.memref_slice %arg7[%dma_wait3A_960, %dma_wait3A_961, %dma_wait3A_962] : memref<6x16x768xf32, #tpu.memory_space<vmem>> -> memref<1x16x768xf32, #tpu.memory_space<vmem>>
    %dma_wait3A_964 = tpu.memref_squeeze %dma_wait3A_963 : memref<1x16x768xf32, #tpu.memory_space<vmem>> -> memref<16x768xf32, #tpu.memory_space<vmem>>
    %dma_wait3A_965 = arith.constant 0 : i32
    %dma_wait3A_966 = tpu.memref_slice %arg4[%add3A_898, %dma_wait3A_965] : memref<9216x768xf32, #tpu.memory_space<hbm>> -> memref<16x768xf32, #tpu.memory_space<hbm>>
    %dma_wait3A_967 = arith.constant 0 : i32
    %dma_wait3A_968 = tpu.memref_slice %arg4[%add3A_898, %dma_wait3A_967] : memref<9216x768xf32, #tpu.memory_space<hbm>> -> memref<16x768xf32, #tpu.memory_space<hbm>>
    %dma_wait3A_969 = arith.constant 0 : i32
    %dma_wait3A_970 = arith.constant 0 : i32
    %dma_wait3A_971 = tpu.memref_slice %arg7[%dma_wait3A_960, %dma_wait3A_969, %dma_wait3A_970] : memref<6x16x768xf32, #tpu.memory_space<vmem>> -> memref<1x16x768xf32, #tpu.memory_space<vmem>>
    %dma_wait3A_972 = tpu.memref_squeeze %dma_wait3A_971 : memref<1x16x768xf32, #tpu.memory_space<vmem>> -> memref<16x768xf32, #tpu.memory_space<vmem>>
    tpu.wait_dma2 semaphore(%arg11 : memref<!tpu.dma_semaphore, #tpu.memory_space<semaphore_mem>>) src(%dma_wait3A_972 : memref<16x768xf32, #tpu.memory_space<vmem>>) dst(%dma_wait3A_968 : memref<16x768xf32, #tpu.memory_space<hbm>>)
    %dma_start3A_973 = arith.constant 5 : i32
    %dma_start3A_974 = arith.constant 0 : i32
    %dma_start3A_975 = arith.constant 0 : i32
    %dma_start3A_976 = tpu.memref_slice %arg7[%dma_start3A_973, %dma_start3A_974, %dma_start3A_975] : memref<6x16x768xf32, #tpu.memory_space<vmem>> -> memref<1x16x768xf32, #tpu.memory_space<vmem>>
    %dma_start3A_977 = tpu.memref_squeeze %dma_start3A_976 : memref<1x16x768xf32, #tpu.memory_space<vmem>> -> memref<16x768xf32, #tpu.memory_space<vmem>>
    %dma_start3A_978 = arith.constant 272 : i32
    %dma_start3A_979 = tpu.memref_slice %arg6[%dma_start3A_978] : memref<288xi32, #tpu.memory_space<vmem>> -> memref<16xi32, #tpu.memory_space<vmem>>
    %dma_start3A_980 = arith.constant 0 : i32
    %dma_start3A_981 = arith.constant 0 : i32
    %dma_start3A_982 = tpu.memref_slice %arg2[%dma_start3A_980, %dma_start3A_981] : memref<36864x768xf32, #tpu.memory_space<hbm>> -> memref<36864x768xf32, #tpu.memory_space<hbm>>
    tpu.enqueue_indirect_dma source(%dma_start3A_982 : memref<36864x768xf32, #tpu.memory_space<hbm>>) target(%dma_start3A_977 : memref<16x768xf32, #tpu.memory_space<vmem>>) offsets(%dma_start3A_979 : memref<16xi32, #tpu.memory_space<vmem>>) semaphore(%arg9 : memref<!tpu.dma_semaphore, #tpu.memory_space<semaphore_mem>>)
    %dma_wait3A_983 = arith.constant 1 : i32
    %dma_wait3A_984 = arith.constant 0 : i32
    %dma_wait3A_985 = arith.constant 0 : i32
    %dma_wait3A_986 = tpu.memref_slice %arg7[%dma_wait3A_983, %dma_wait3A_984, %dma_wait3A_985] : memref<6x16x768xf32, #tpu.memory_space<vmem>> -> memref<1x16x768xf32, #tpu.memory_space<vmem>>
    %dma_wait3A_987 = tpu.memref_squeeze %dma_wait3A_986 : memref<1x16x768xf32, #tpu.memory_space<vmem>> -> memref<16x768xf32, #tpu.memory_space<vmem>>
    %dma_wait3A_988 = arith.constant 208 : i32
    %dma_wait3A_989 = tpu.memref_slice %arg6[%dma_wait3A_988] : memref<288xi32, #tpu.memory_space<vmem>> -> memref<16xi32, #tpu.memory_space<vmem>>
    %dma_wait3A_990 = arith.constant 0 : i32
    %dma_wait3A_991 = arith.constant 0 : i32
    %dma_wait3A_992 = tpu.memref_slice %arg2[%dma_wait3A_990, %dma_wait3A_991] : memref<36864x768xf32, #tpu.memory_space<hbm>> -> memref<36864x768xf32, #tpu.memory_space<hbm>>
    tpu.wait_indirect_dma semaphore(%arg9 : memref<!tpu.dma_semaphore, #tpu.memory_space<semaphore_mem>>) src(%dma_wait3A_992 : memref<36864x768xf32, #tpu.memory_space<hbm>>) dst(%dma_wait3A_987 : memref<16x768xf32, #tpu.memory_space<vmem>>)
    %add3A_993 = arith.constant 208 : i32
    %add3A_994 = arith.addi %mul3A_2, %add3A_993 : i32
    %dma_start3A_995 = arith.constant 1 : i32
    %dma_start3A_996 = arith.constant 0 : i32
    %dma_start3A_997 = arith.constant 0 : i32
    %dma_start3A_998 = tpu.memref_slice %arg7[%dma_start3A_995, %dma_start3A_996, %dma_start3A_997] : memref<6x16x768xf32, #tpu.memory_space<vmem>> -> memref<1x16x768xf32, #tpu.memory_space<vmem>>
    %dma_start3A_999 = tpu.memref_squeeze %dma_start3A_998 : memref<1x16x768xf32, #tpu.memory_space<vmem>> -> memref<16x768xf32, #tpu.memory_space<vmem>>
    %dma_start3A_1000 = arith.constant 0 : i32
    %dma_start3A_1001 = tpu.memref_slice %arg4[%add3A_994, %dma_start3A_1000] : memref<9216x768xf32, #tpu.memory_space<hbm>> -> memref<16x768xf32, #tpu.memory_space<hbm>>
    %dma_start3A_1002 = arith.constant 0 : i32
    %dma_start3A_1003 = tpu.memref_slice %arg4[%add3A_994, %dma_start3A_1002] : memref<9216x768xf32, #tpu.memory_space<hbm>> -> memref<16x768xf32, #tpu.memory_space<hbm>>
    %dma_start3A_1004 = arith.constant 0 : i32
    %dma_start3A_1005 = arith.constant 0 : i32
    %dma_start3A_1006 = tpu.memref_slice %arg7[%dma_start3A_995, %dma_start3A_1004, %dma_start3A_1005] : memref<6x16x768xf32, #tpu.memory_space<vmem>> -> memref<1x16x768xf32, #tpu.memory_space<vmem>>
    %dma_start3A_1007 = tpu.memref_squeeze %dma_start3A_1006 : memref<1x16x768xf32, #tpu.memory_space<vmem>> -> memref<16x768xf32, #tpu.memory_space<vmem>>
    tpu.enqueue_dma source(%dma_start3A_1007 : memref<16x768xf32, #tpu.memory_space<vmem>>) target(%dma_start3A_1003 : memref<16x768xf32, #tpu.memory_space<hbm>>) target_semaphore(%arg11 : memref<!tpu.dma_semaphore, #tpu.memory_space<semaphore_mem>>)
    %dma_wait3A_1008 = arith.constant 2 : i32
    %dma_wait3A_1009 = arith.constant 0 : i32
    %dma_wait3A_1010 = arith.constant 0 : i32
    %dma_wait3A_1011 = tpu.memref_slice %arg7[%dma_wait3A_1008, %dma_wait3A_1009, %dma_wait3A_1010] : memref<6x16x768xf32, #tpu.memory_space<vmem>> -> memref<1x16x768xf32, #tpu.memory_space<vmem>>
    %dma_wait3A_1012 = tpu.memref_squeeze %dma_wait3A_1011 : memref<1x16x768xf32, #tpu.memory_space<vmem>> -> memref<16x768xf32, #tpu.memory_space<vmem>>
    %dma_wait3A_1013 = arith.constant 224 : i32
    %dma_wait3A_1014 = tpu.memref_slice %arg6[%dma_wait3A_1013] : memref<288xi32, #tpu.memory_space<vmem>> -> memref<16xi32, #tpu.memory_space<vmem>>
    %dma_wait3A_1015 = arith.constant 0 : i32
    %dma_wait3A_1016 = arith.constant 0 : i32
    %dma_wait3A_1017 = tpu.memref_slice %arg2[%dma_wait3A_1015, %dma_wait3A_1016] : memref<36864x768xf32, #tpu.memory_space<hbm>> -> memref<36864x768xf32, #tpu.memory_space<hbm>>
    tpu.wait_indirect_dma semaphore(%arg8 : memref<!tpu.dma_semaphore, #tpu.memory_space<semaphore_mem>>) src(%dma_wait3A_1017 : memref<36864x768xf32, #tpu.memory_space<hbm>>) dst(%dma_wait3A_1012 : memref<16x768xf32, #tpu.memory_space<vmem>>)
    %add3A_1018 = arith.constant 224 : i32
    %add3A_1019 = arith.addi %mul3A_2, %add3A_1018 : i32
    %dma_start3A_1020 = arith.constant 2 : i32
    %dma_start3A_1021 = arith.constant 0 : i32
    %dma_start3A_1022 = arith.constant 0 : i32
    %dma_start3A_1023 = tpu.memref_slice %arg7[%dma_start3A_1020, %dma_start3A_1021, %dma_start3A_1022] : memref<6x16x768xf32, #tpu.memory_space<vmem>> -> memref<1x16x768xf32, #tpu.memory_space<vmem>>
    %dma_start3A_1024 = tpu.memref_squeeze %dma_start3A_1023 : memref<1x16x768xf32, #tpu.memory_space<vmem>> -> memref<16x768xf32, #tpu.memory_space<vmem>>
    %dma_start3A_1025 = arith.constant 0 : i32
    %dma_start3A_1026 = tpu.memref_slice %arg4[%add3A_1019, %dma_start3A_1025] : memref<9216x768xf32, #tpu.memory_space<hbm>> -> memref<16x768xf32, #tpu.memory_space<hbm>>
    %dma_start3A_1027 = arith.constant 0 : i32
    %dma_start3A_1028 = tpu.memref_slice %arg4[%add3A_1019, %dma_start3A_1027] : memref<9216x768xf32, #tpu.memory_space<hbm>> -> memref<16x768xf32, #tpu.memory_space<hbm>>
    %dma_start3A_1029 = arith.constant 0 : i32
    %dma_start3A_1030 = arith.constant 0 : i32
    %dma_start3A_1031 = tpu.memref_slice %arg7[%dma_start3A_1020, %dma_start3A_1029, %dma_start3A_1030] : memref<6x16x768xf32, #tpu.memory_space<vmem>> -> memref<1x16x768xf32, #tpu.memory_space<vmem>>
    %dma_start3A_1032 = tpu.memref_squeeze %dma_start3A_1031 : memref<1x16x768xf32, #tpu.memory_space<vmem>> -> memref<16x768xf32, #tpu.memory_space<vmem>>
    tpu.enqueue_dma source(%dma_start3A_1032 : memref<16x768xf32, #tpu.memory_space<vmem>>) target(%dma_start3A_1028 : memref<16x768xf32, #tpu.memory_space<hbm>>) target_semaphore(%arg10 : memref<!tpu.dma_semaphore, #tpu.memory_space<semaphore_mem>>)
    %dma_wait3A_1033 = arith.constant 3 : i32
    %dma_wait3A_1034 = arith.constant 0 : i32
    %dma_wait3A_1035 = arith.constant 0 : i32
    %dma_wait3A_1036 = tpu.memref_slice %arg7[%dma_wait3A_1033, %dma_wait3A_1034, %dma_wait3A_1035] : memref<6x16x768xf32, #tpu.memory_space<vmem>> -> memref<1x16x768xf32, #tpu.memory_space<vmem>>
    %dma_wait3A_1037 = tpu.memref_squeeze %dma_wait3A_1036 : memref<1x16x768xf32, #tpu.memory_space<vmem>> -> memref<16x768xf32, #tpu.memory_space<vmem>>
    %dma_wait3A_1038 = arith.constant 240 : i32
    %dma_wait3A_1039 = tpu.memref_slice %arg6[%dma_wait3A_1038] : memref<288xi32, #tpu.memory_space<vmem>> -> memref<16xi32, #tpu.memory_space<vmem>>
    %dma_wait3A_1040 = arith.constant 0 : i32
    %dma_wait3A_1041 = arith.constant 0 : i32
    %dma_wait3A_1042 = tpu.memref_slice %arg2[%dma_wait3A_1040, %dma_wait3A_1041] : memref<36864x768xf32, #tpu.memory_space<hbm>> -> memref<36864x768xf32, #tpu.memory_space<hbm>>
    tpu.wait_indirect_dma semaphore(%arg9 : memref<!tpu.dma_semaphore, #tpu.memory_space<semaphore_mem>>) src(%dma_wait3A_1042 : memref<36864x768xf32, #tpu.memory_space<hbm>>) dst(%dma_wait3A_1037 : memref<16x768xf32, #tpu.memory_space<vmem>>)
    %add3A_1043 = arith.constant 240 : i32
    %add3A_1044 = arith.addi %mul3A_2, %add3A_1043 : i32
    %dma_start3A_1045 = arith.constant 3 : i32
    %dma_start3A_1046 = arith.constant 0 : i32
    %dma_start3A_1047 = arith.constant 0 : i32
    %dma_start3A_1048 = tpu.memref_slice %arg7[%dma_start3A_1045, %dma_start3A_1046, %dma_start3A_1047] : memref<6x16x768xf32, #tpu.memory_space<vmem>> -> memref<1x16x768xf32, #tpu.memory_space<vmem>>
    %dma_start3A_1049 = tpu.memref_squeeze %dma_start3A_1048 : memref<1x16x768xf32, #tpu.memory_space<vmem>> -> memref<16x768xf32, #tpu.memory_space<vmem>>
    %dma_start3A_1050 = arith.constant 0 : i32
    %dma_start3A_1051 = tpu.memref_slice %arg4[%add3A_1044, %dma_start3A_1050] : memref<9216x768xf32, #tpu.memory_space<hbm>> -> memref<16x768xf32, #tpu.memory_space<hbm>>
    %dma_start3A_1052 = arith.constant 0 : i32
    %dma_start3A_1053 = tpu.memref_slice %arg4[%add3A_1044, %dma_start3A_1052] : memref<9216x768xf32, #tpu.memory_space<hbm>> -> memref<16x768xf32, #tpu.memory_space<hbm>>
    %dma_start3A_1054 = arith.constant 0 : i32
    %dma_start3A_1055 = arith.constant 0 : i32
    %dma_start3A_1056 = tpu.memref_slice %arg7[%dma_start3A_1045, %dma_start3A_1054, %dma_start3A_1055] : memref<6x16x768xf32, #tpu.memory_space<vmem>> -> memref<1x16x768xf32, #tpu.memory_space<vmem>>
    %dma_start3A_1057 = tpu.memref_squeeze %dma_start3A_1056 : memref<1x16x768xf32, #tpu.memory_space<vmem>> -> memref<16x768xf32, #tpu.memory_space<vmem>>
    tpu.enqueue_dma source(%dma_start3A_1057 : memref<16x768xf32, #tpu.memory_space<vmem>>) target(%dma_start3A_1053 : memref<16x768xf32, #tpu.memory_space<hbm>>) target_semaphore(%arg11 : memref<!tpu.dma_semaphore, #tpu.memory_space<semaphore_mem>>)
    %dma_wait3A_1058 = arith.constant 4 : i32
    %dma_wait3A_1059 = arith.constant 0 : i32
    %dma_wait3A_1060 = arith.constant 0 : i32
    %dma_wait3A_1061 = tpu.memref_slice %arg7[%dma_wait3A_1058, %dma_wait3A_1059, %dma_wait3A_1060] : memref<6x16x768xf32, #tpu.memory_space<vmem>> -> memref<1x16x768xf32, #tpu.memory_space<vmem>>
    %dma_wait3A_1062 = tpu.memref_squeeze %dma_wait3A_1061 : memref<1x16x768xf32, #tpu.memory_space<vmem>> -> memref<16x768xf32, #tpu.memory_space<vmem>>
    %dma_wait3A_1063 = arith.constant 256 : i32
    %dma_wait3A_1064 = tpu.memref_slice %arg6[%dma_wait3A_1063] : memref<288xi32, #tpu.memory_space<vmem>> -> memref<16xi32, #tpu.memory_space<vmem>>
    %dma_wait3A_1065 = arith.constant 0 : i32
    %dma_wait3A_1066 = arith.constant 0 : i32
    %dma_wait3A_1067 = tpu.memref_slice %arg2[%dma_wait3A_1065, %dma_wait3A_1066] : memref<36864x768xf32, #tpu.memory_space<hbm>> -> memref<36864x768xf32, #tpu.memory_space<hbm>>
    tpu.wait_indirect_dma semaphore(%arg8 : memref<!tpu.dma_semaphore, #tpu.memory_space<semaphore_mem>>) src(%dma_wait3A_1067 : memref<36864x768xf32, #tpu.memory_space<hbm>>) dst(%dma_wait3A_1062 : memref<16x768xf32, #tpu.memory_space<vmem>>)
    %add3A_1068 = arith.constant 256 : i32
    %add3A_1069 = arith.addi %mul3A_2, %add3A_1068 : i32
    %dma_start3A_1070 = arith.constant 4 : i32
    %dma_start3A_1071 = arith.constant 0 : i32
    %dma_start3A_1072 = arith.constant 0 : i32
    %dma_start3A_1073 = tpu.memref_slice %arg7[%dma_start3A_1070, %dma_start3A_1071, %dma_start3A_1072] : memref<6x16x768xf32, #tpu.memory_space<vmem>> -> memref<1x16x768xf32, #tpu.memory_space<vmem>>
    %dma_start3A_1074 = tpu.memref_squeeze %dma_start3A_1073 : memref<1x16x768xf32, #tpu.memory_space<vmem>> -> memref<16x768xf32, #tpu.memory_space<vmem>>
    %dma_start3A_1075 = arith.constant 0 : i32
    %dma_start3A_1076 = tpu.memref_slice %arg4[%add3A_1069, %dma_start3A_1075] : memref<9216x768xf32, #tpu.memory_space<hbm>> -> memref<16x768xf32, #tpu.memory_space<hbm>>
    %dma_start3A_1077 = arith.constant 0 : i32
    %dma_start3A_1078 = tpu.memref_slice %arg4[%add3A_1069, %dma_start3A_1077] : memref<9216x768xf32, #tpu.memory_space<hbm>> -> memref<16x768xf32, #tpu.memory_space<hbm>>
    %dma_start3A_1079 = arith.constant 0 : i32
    %dma_start3A_1080 = arith.constant 0 : i32
    %dma_start3A_1081 = tpu.memref_slice %arg7[%dma_start3A_1070, %dma_start3A_1079, %dma_start3A_1080] : memref<6x16x768xf32, #tpu.memory_space<vmem>> -> memref<1x16x768xf32, #tpu.memory_space<vmem>>
    %dma_start3A_1082 = tpu.memref_squeeze %dma_start3A_1081 : memref<1x16x768xf32, #tpu.memory_space<vmem>> -> memref<16x768xf32, #tpu.memory_space<vmem>>
    tpu.enqueue_dma source(%dma_start3A_1082 : memref<16x768xf32, #tpu.memory_space<vmem>>) target(%dma_start3A_1078 : memref<16x768xf32, #tpu.memory_space<hbm>>) target_semaphore(%arg10 : memref<!tpu.dma_semaphore, #tpu.memory_space<semaphore_mem>>)
    %dma_wait3A_1083 = arith.constant 5 : i32
    %dma_wait3A_1084 = arith.constant 0 : i32
    %dma_wait3A_1085 = arith.constant 0 : i32
    %dma_wait3A_1086 = tpu.memref_slice %arg7[%dma_wait3A_1083, %dma_wait3A_1084, %dma_wait3A_1085] : memref<6x16x768xf32, #tpu.memory_space<vmem>> -> memref<1x16x768xf32, #tpu.memory_space<vmem>>
    %dma_wait3A_1087 = tpu.memref_squeeze %dma_wait3A_1086 : memref<1x16x768xf32, #tpu.memory_space<vmem>> -> memref<16x768xf32, #tpu.memory_space<vmem>>
    %dma_wait3A_1088 = arith.constant 272 : i32
    %dma_wait3A_1089 = tpu.memref_slice %arg6[%dma_wait3A_1088] : memref<288xi32, #tpu.memory_space<vmem>> -> memref<16xi32, #tpu.memory_space<vmem>>
    %dma_wait3A_1090 = arith.constant 0 : i32
    %dma_wait3A_1091 = arith.constant 0 : i32
    %dma_wait3A_1092 = tpu.memref_slice %arg2[%dma_wait3A_1090, %dma_wait3A_1091] : memref<36864x768xf32, #tpu.memory_space<hbm>> -> memref<36864x768xf32, #tpu.memory_space<hbm>>
    tpu.wait_indirect_dma semaphore(%arg9 : memref<!tpu.dma_semaphore, #tpu.memory_space<semaphore_mem>>) src(%dma_wait3A_1092 : memref<36864x768xf32, #tpu.memory_space<hbm>>) dst(%dma_wait3A_1087 : memref<16x768xf32, #tpu.memory_space<vmem>>)
    %add3A_1093 = arith.constant 272 : i32
    %add3A_1094 = arith.addi %mul3A_2, %add3A_1093 : i32
    %dma_start3A_1095 = arith.constant 5 : i32
    %dma_start3A_1096 = arith.constant 0 : i32
    %dma_start3A_1097 = arith.constant 0 : i32
    %dma_start3A_1098 = tpu.memref_slice %arg7[%dma_start3A_1095, %dma_start3A_1096, %dma_start3A_1097] : memref<6x16x768xf32, #tpu.memory_space<vmem>> -> memref<1x16x768xf32, #tpu.memory_space<vmem>>
    %dma_start3A_1099 = tpu.memref_squeeze %dma_start3A_1098 : memref<1x16x768xf32, #tpu.memory_space<vmem>> -> memref<16x768xf32, #tpu.memory_space<vmem>>
    %dma_start3A_1100 = arith.constant 0 : i32
    %dma_start3A_1101 = tpu.memref_slice %arg4[%add3A_1094, %dma_start3A_1100] : memref<9216x768xf32, #tpu.memory_space<hbm>> -> memref<16x768xf32, #tpu.memory_space<hbm>>
    %dma_start3A_1102 = arith.constant 0 : i32
    %dma_start3A_1103 = tpu.memref_slice %arg4[%add3A_1094, %dma_start3A_1102] : memref<9216x768xf32, #tpu.memory_space<hbm>> -> memref<16x768xf32, #tpu.memory_space<hbm>>
    %dma_start3A_1104 = arith.constant 0 : i32
    %dma_start3A_1105 = arith.constant 0 : i32
    %dma_start3A_1106 = tpu.memref_slice %arg7[%dma_start3A_1095, %dma_start3A_1104, %dma_start3A_1105] : memref<6x16x768xf32, #tpu.memory_space<vmem>> -> memref<1x16x768xf32, #tpu.memory_space<vmem>>
    %dma_start3A_1107 = tpu.memref_squeeze %dma_start3A_1106 : memref<1x16x768xf32, #tpu.memory_space<vmem>> -> memref<16x768xf32, #tpu.memory_space<vmem>>
    tpu.enqueue_dma source(%dma_start3A_1107 : memref<16x768xf32, #tpu.memory_space<vmem>>) target(%dma_start3A_1103 : memref<16x768xf32, #tpu.memory_space<hbm>>) target_semaphore(%arg11 : memref<!tpu.dma_semaphore, #tpu.memory_space<semaphore_mem>>)
    %dma_wait3A_1108 = arith.constant 0 : i32
    %dma_wait3A_1109 = arith.constant 0 : i32
    %dma_wait3A_1110 = arith.constant 0 : i32
    %dma_wait3A_1111 = tpu.memref_slice %arg7[%dma_wait3A_1108, %dma_wait3A_1109, %dma_wait3A_1110] : memref<6x16x768xf32, #tpu.memory_space<vmem>> -> memref<1x16x768xf32, #tpu.memory_space<vmem>>
    %dma_wait3A_1112 = tpu.memref_squeeze %dma_wait3A_1111 : memref<1x16x768xf32, #tpu.memory_space<vmem>> -> memref<16x768xf32, #tpu.memory_space<vmem>>
    %dma_wait3A_1113 = arith.constant 0 : i32
    %dma_wait3A_1114 = tpu.memref_slice %arg4[%add3A_946, %dma_wait3A_1113] : memref<9216x768xf32, #tpu.memory_space<hbm>> -> memref<16x768xf32, #tpu.memory_space<hbm>>
    %dma_wait3A_1115 = arith.constant 0 : i32
    %dma_wait3A_1116 = tpu.memref_slice %arg4[%add3A_946, %dma_wait3A_1115] : memref<9216x768xf32, #tpu.memory_space<hbm>> -> memref<16x768xf32, #tpu.memory_space<hbm>>
    %dma_wait3A_1117 = arith.constant 0 : i32
    %dma_wait3A_1118 = arith.constant 0 : i32
    %dma_wait3A_1119 = tpu.memref_slice %arg7[%dma_wait3A_1108, %dma_wait3A_1117, %dma_wait3A_1118] : memref<6x16x768xf32, #tpu.memory_space<vmem>> -> memref<1x16x768xf32, #tpu.memory_space<vmem>>
    %dma_wait3A_1120 = tpu.memref_squeeze %dma_wait3A_1119 : memref<1x16x768xf32, #tpu.memory_space<vmem>> -> memref<16x768xf32, #tpu.memory_space<vmem>>
    tpu.wait_dma2 semaphore(%arg10 : memref<!tpu.dma_semaphore, #tpu.memory_space<semaphore_mem>>) src(%dma_wait3A_1120 : memref<16x768xf32, #tpu.memory_space<vmem>>) dst(%dma_wait3A_1116 : memref<16x768xf32, #tpu.memory_space<hbm>>)
    %dma_wait3A_1121 = arith.constant 1 : i32
    %dma_wait3A_1122 = arith.constant 0 : i32
    %dma_wait3A_1123 = arith.constant 0 : i32
    %dma_wait3A_1124 = tpu.memref_slice %arg7[%dma_wait3A_1121, %dma_wait3A_1122, %dma_wait3A_1123] : memref<6x16x768xf32, #tpu.memory_space<vmem>> -> memref<1x16x768xf32, #tpu.memory_space<vmem>>
    %dma_wait3A_1125 = tpu.memref_squeeze %dma_wait3A_1124 : memref<1x16x768xf32, #tpu.memory_space<vmem>> -> memref<16x768xf32, #tpu.memory_space<vmem>>
    %dma_wait3A_1126 = arith.constant 0 : i32
    %dma_wait3A_1127 = tpu.memref_slice %arg4[%add3A_994, %dma_wait3A_1126] : memref<9216x768xf32, #tpu.memory_space<hbm>> -> memref<16x768xf32, #tpu.memory_space<hbm>>
    %dma_wait3A_1128 = arith.constant 0 : i32
    %dma_wait3A_1129 = tpu.memref_slice %arg4[%add3A_994, %dma_wait3A_1128] : memref<9216x768xf32, #tpu.memory_space<hbm>> -> memref<16x768xf32, #tpu.memory_space<hbm>>
    %dma_wait3A_1130 = arith.constant 0 : i32
    %dma_wait3A_1131 = arith.constant 0 : i32
    %dma_wait3A_1132 = tpu.memref_slice %arg7[%dma_wait3A_1121, %dma_wait3A_1130, %dma_wait3A_1131] : memref<6x16x768xf32, #tpu.memory_space<vmem>> -> memref<1x16x768xf32, #tpu.memory_space<vmem>>
    %dma_wait3A_1133 = tpu.memref_squeeze %dma_wait3A_1132 : memref<1x16x768xf32, #tpu.memory_space<vmem>> -> memref<16x768xf32, #tpu.memory_space<vmem>>
    tpu.wait_dma2 semaphore(%arg11 : memref<!tpu.dma_semaphore, #tpu.memory_space<semaphore_mem>>) src(%dma_wait3A_1133 : memref<16x768xf32, #tpu.memory_space<vmem>>) dst(%dma_wait3A_1129 : memref<16x768xf32, #tpu.memory_space<hbm>>)
    %dma_wait3A_1134 = arith.constant 2 : i32
    %dma_wait3A_1135 = arith.constant 0 : i32
    %dma_wait3A_1136 = arith.constant 0 : i32
    %dma_wait3A_1137 = tpu.memref_slice %arg7[%dma_wait3A_1134, %dma_wait3A_1135, %dma_wait3A_1136] : memref<6x16x768xf32, #tpu.memory_space<vmem>> -> memref<1x16x768xf32, #tpu.memory_space<vmem>>
    %dma_wait3A_1138 = tpu.memref_squeeze %dma_wait3A_1137 : memref<1x16x768xf32, #tpu.memory_space<vmem>> -> memref<16x768xf32, #tpu.memory_space<vmem>>
    %dma_wait3A_1139 = arith.constant 0 : i32
    %dma_wait3A_1140 = tpu.memref_slice %arg4[%add3A_1019, %dma_wait3A_1139] : memref<9216x768xf32, #tpu.memory_space<hbm>> -> memref<16x768xf32, #tpu.memory_space<hbm>>
    %dma_wait3A_1141 = arith.constant 0 : i32
    %dma_wait3A_1142 = tpu.memref_slice %arg4[%add3A_1019, %dma_wait3A_1141] : memref<9216x768xf32, #tpu.memory_space<hbm>> -> memref<16x768xf32, #tpu.memory_space<hbm>>
    %dma_wait3A_1143 = arith.constant 0 : i32
    %dma_wait3A_1144 = arith.constant 0 : i32
    %dma_wait3A_1145 = tpu.memref_slice %arg7[%dma_wait3A_1134, %dma_wait3A_1143, %dma_wait3A_1144] : memref<6x16x768xf32, #tpu.memory_space<vmem>> -> memref<1x16x768xf32, #tpu.memory_space<vmem>>
    %dma_wait3A_1146 = tpu.memref_squeeze %dma_wait3A_1145 : memref<1x16x768xf32, #tpu.memory_space<vmem>> -> memref<16x768xf32, #tpu.memory_space<vmem>>
    tpu.wait_dma2 semaphore(%arg10 : memref<!tpu.dma_semaphore, #tpu.memory_space<semaphore_mem>>) src(%dma_wait3A_1146 : memref<16x768xf32, #tpu.memory_space<vmem>>) dst(%dma_wait3A_1142 : memref<16x768xf32, #tpu.memory_space<hbm>>)
    %dma_wait3A_1147 = arith.constant 3 : i32
    %dma_wait3A_1148 = arith.constant 0 : i32
    %dma_wait3A_1149 = arith.constant 0 : i32
    %dma_wait3A_1150 = tpu.memref_slice %arg7[%dma_wait3A_1147, %dma_wait3A_1148, %dma_wait3A_1149] : memref<6x16x768xf32, #tpu.memory_space<vmem>> -> memref<1x16x768xf32, #tpu.memory_space<vmem>>
    %dma_wait3A_1151 = tpu.memref_squeeze %dma_wait3A_1150 : memref<1x16x768xf32, #tpu.memory_space<vmem>> -> memref<16x768xf32, #tpu.memory_space<vmem>>
    %dma_wait3A_1152 = arith.constant 0 : i32
    %dma_wait3A_1153 = tpu.memref_slice %arg4[%add3A_1044, %dma_wait3A_1152] : memref<9216x768xf32, #tpu.memory_space<hbm>> -> memref<16x768xf32, #tpu.memory_space<hbm>>
    %dma_wait3A_1154 = arith.constant 0 : i32
    %dma_wait3A_1155 = tpu.memref_slice %arg4[%add3A_1044, %dma_wait3A_1154] : memref<9216x768xf32, #tpu.memory_space<hbm>> -> memref<16x768xf32, #tpu.memory_space<hbm>>
    %dma_wait3A_1156 = arith.constant 0 : i32
    %dma_wait3A_1157 = arith.constant 0 : i32
    %dma_wait3A_1158 = tpu.memref_slice %arg7[%dma_wait3A_1147, %dma_wait3A_1156, %dma_wait3A_1157] : memref<6x16x768xf32, #tpu.memory_space<vmem>> -> memref<1x16x768xf32, #tpu.memory_space<vmem>>
    %dma_wait3A_1159 = tpu.memref_squeeze %dma_wait3A_1158 : memref<1x16x768xf32, #tpu.memory_space<vmem>> -> memref<16x768xf32, #tpu.memory_space<vmem>>
    tpu.wait_dma2 semaphore(%arg11 : memref<!tpu.dma_semaphore, #tpu.memory_space<semaphore_mem>>) src(%dma_wait3A_1159 : memref<16x768xf32, #tpu.memory_space<vmem>>) dst(%dma_wait3A_1155 : memref<16x768xf32, #tpu.memory_space<hbm>>)
    %dma_wait3A_1160 = arith.constant 4 : i32
    %dma_wait3A_1161 = arith.constant 0 : i32
    %dma_wait3A_1162 = arith.constant 0 : i32
    %dma_wait3A_1163 = tpu.memref_slice %arg7[%dma_wait3A_1160, %dma_wait3A_1161, %dma_wait3A_1162] : memref<6x16x768xf32, #tpu.memory_space<vmem>> -> memref<1x16x768xf32, #tpu.memory_space<vmem>>
    %dma_wait3A_1164 = tpu.memref_squeeze %dma_wait3A_1163 : memref<1x16x768xf32, #tpu.memory_space<vmem>> -> memref<16x768xf32, #tpu.memory_space<vmem>>
    %dma_wait3A_1165 = arith.constant 0 : i32
    %dma_wait3A_1166 = tpu.memref_slice %arg4[%add3A_1069, %dma_wait3A_1165] : memref<9216x768xf32, #tpu.memory_space<hbm>> -> memref<16x768xf32, #tpu.memory_space<hbm>>
    %dma_wait3A_1167 = arith.constant 0 : i32
    %dma_wait3A_1168 = tpu.memref_slice %arg4[%add3A_1069, %dma_wait3A_1167] : memref<9216x768xf32, #tpu.memory_space<hbm>> -> memref<16x768xf32, #tpu.memory_space<hbm>>
    %dma_wait3A_1169 = arith.constant 0 : i32
    %dma_wait3A_1170 = arith.constant 0 : i32
    %dma_wait3A_1171 = tpu.memref_slice %arg7[%dma_wait3A_1160, %dma_wait3A_1169, %dma_wait3A_1170] : memref<6x16x768xf32, #tpu.memory_space<vmem>> -> memref<1x16x768xf32, #tpu.memory_space<vmem>>
    %dma_wait3A_1172 = tpu.memref_squeeze %dma_wait3A_1171 : memref<1x16x768xf32, #tpu.memory_space<vmem>> -> memref<16x768xf32, #tpu.memory_space<vmem>>
    tpu.wait_dma2 semaphore(%arg10 : memref<!tpu.dma_semaphore, #tpu.memory_space<semaphore_mem>>) src(%dma_wait3A_1172 : memref<16x768xf32, #tpu.memory_space<vmem>>) dst(%dma_wait3A_1168 : memref<16x768xf32, #tpu.memory_space<hbm>>)
    %dma_wait3A_1173 = arith.constant 5 : i32
    %dma_wait3A_1174 = arith.constant 0 : i32
    %dma_wait3A_1175 = arith.constant 0 : i32
    %dma_wait3A_1176 = tpu.memref_slice %arg7[%dma_wait3A_1173, %dma_wait3A_1174, %dma_wait3A_1175] : memref<6x16x768xf32, #tpu.memory_space<vmem>> -> memref<1x16x768xf32, #tpu.memory_space<vmem>>
    %dma_wait3A_1177 = tpu.memref_squeeze %dma_wait3A_1176 : memref<1x16x768xf32, #tpu.memory_space<vmem>> -> memref<16x768xf32, #tpu.memory_space<vmem>>
    %dma_wait3A_1178 = arith.constant 0 : i32
    %dma_wait3A_1179 = tpu.memref_slice %arg4[%add3A_1094, %dma_wait3A_1178] : memref<9216x768xf32, #tpu.memory_space<hbm>> -> memref<16x768xf32, #tpu.memory_space<hbm>>
    %dma_wait3A_1180 = arith.constant 0 : i32
    %dma_wait3A_1181 = tpu.memref_slice %arg4[%add3A_1094, %dma_wait3A_1180] : memref<9216x768xf32, #tpu.memory_space<hbm>> -> memref<16x768xf32, #tpu.memory_space<hbm>>
    %dma_wait3A_1182 = arith.constant 0 : i32
    %dma_wait3A_1183 = arith.constant 0 : i32
    %dma_wait3A_1184 = tpu.memref_slice %arg7[%dma_wait3A_1173, %dma_wait3A_1182, %dma_wait3A_1183] : memref<6x16x768xf32, #tpu.memory_space<vmem>> -> memref<1x16x768xf32, #tpu.memory_space<vmem>>
    %dma_wait3A_1185 = tpu.memref_squeeze %dma_wait3A_1184 : memref<1x16x768xf32, #tpu.memory_space<vmem>> -> memref<16x768xf32, #tpu.memory_space<vmem>>
    tpu.wait_dma2 semaphore(%arg11 : memref<!tpu.dma_semaphore, #tpu.memory_space<semaphore_mem>>) src(%dma_wait3A_1185 : memref<16x768xf32, #tpu.memory_space<vmem>>) dst(%dma_wait3A_1181 : memref<16x768xf32, #tpu.memory_space<hbm>>)
    return
  }
}

</mosaic_0001>

<sc_bundles>
// kernel: _sc_gather.3.cloned.1.call-start
scs
__scs_entry_jumppad:
0x0: {  	(pc) =	sbr.rel $0x88, $3  }
0x1: {  	(tag) =	ssettag $0x0;
	lr =	simm.s32 $0x1  }
0x2: {  	[smem:$0x3F9F] =	sst lr;
	_ =	strace $0xD0000000  }
0x3: {  	_ = 	snop  }
0x4: {  	_ = 	snop  }
0x5: {  	_ = 	snop  }
0x6: {  	_ = 	snop  }
0x7: {  	_ = 	snop  }
__scs_overlays_trampoline_lowered:
0x8: {  	[smem:$0x3FAE] =	sst s0  }
0x9: {  	[smem:$0x3FAF] =	sst s1  }
0xa: {  	[smem:$0x3FB0] =	sst s2  }
0xb: {  	[smem:$0x3FB1] =	sst s3  }
0xc: {  	[smem:$0x3FB2] =	sst s4  }
0xd: {  	[smem:$0x3FB3] =	sst s5  }
0xe: {  	[smem:$0x3FB4] =	sst s6  }
0xf: {  	[smem:$0x3FB5] =	sst s7  }
0x10: {  	[smem:$0x3FB6] =	sst s8  }
0x11: {  	[smem:$0x3FB7] =	sst s9;
	s0 =	simm.s32 @!p0 $0x0  }
0x12: {  	s1 =	sld [smem:$0x3F9D];
	s0 =	simm.s32 @p0 $0x1  }
0x13: {  	[smem:$0x3FB8] =	sst s0;
	s0 =	simm.s32 @!p1 $0x0  }
0x14: {  	s2 =	sld [smem:$0x3F9C];
	s0 =	simm.s32 @p1 $0x1  }
0x15: {  	[smem:$0x3FB9] =	sst s0;
	s0 =	simm.s32 @!p2 $0x0  }
0x16: {  	s3 =	sld [smem:$0x3FDB];
	s0 =	simm.s32 @p2 $0x1  }
0x17: {  	s4 =	simm.s32 $0x1BF5;
	[smem:$0x3FBB] =	sst s0  }
0x18: {  	s0 =	sld [smem:$0x3F9E];
	_ =	swait.ge [sflag:s4], $0x0  }
0x19: {  	s7 =	sld [smem:$0x3F9F]  }
0x1a: {  	s8 =	sadd.s32 $0xFFFFE003, lr  }
0x1b: {  	s9 =	sadd.s32 $0xFFFFFEF7, lr;
	s5 =	simm.s32 $0xFFFFFFFF;
	p2 =	slt.u32 s8, $0xFFFFF086  }
0x1c: {  	p1 =	slt.u32 s9, $0xF7A;
	s5 =	simm.s32 @!p2 $0x0  }
0x1d: {  	s5 =	simm.s32 @p1 $0x1;
	p0 =	seq.s32 s7, s2  }
0x1e: {  	s7 =	smul.u32 @!p0 $0xF7A, s2;
	p2 =	seq.s32 @!p0 s5, $0x0  }
0x1f: {  	s9 =	smul.u32 $0xF7A, s1;
	s8 =	simm.s32 @!p0 $0x1BF5;
	p2 =	por !p2, p0  }
0x20: {  	[sflag:s8] =	ssyncset.s32 @!p0 $0xFFFFF086;
	s6 =	sadd.s32 @!p0 s3, s7;
	s7 =	simm.s32 @!p0 $0x108  }
0x21: {  	s3 =	sadd.s32 s3, s9;
	s6 =	sadd.s32 @!p0 $0x88, s6;
	s7 =	simm.s32 @p2 $0x1082  }
0x22: {  	[simem:s7], [sflag:s8] =	dma.local @!p0 [hbm:s6], $0xF7A  }
0x23: {  	s9 =	sor.u32 $0xD0000000, s2;
	s6 =	simm.s32 $0x108;
	_ =	swait.ge @!p0 [sflag:s8], $0x0  }
0x24: {  	s3 =	sadd.s32 $0x88, s3;
	s6 =	simm.s32 @!p1 $0x1082;
	[sflag:s4] =	ssyncset.s32 $0xFFFFF086  }
0x25: {  	[simem:s6], [sflag:s4] =	dma.local [hbm:s3], $0xF7A  }
0x26: {  	[smem:$0x3F9F] =	sst s1;
	(tag) =	ssettag s2;
	_ =	strace s9  }
0x27: {  	s1 =	sld [smem:$0x3FAF]  }
0x28: {  	s2 =	sld [smem:$0x3FB0]  }
0x29: {  	s4 =	sld [smem:$0x3FB2]  }
0x2a: {  	p0 =	seq.s32 s5, $0x0;
	s5 =	sld [smem:$0x3FB3]  }
0x2b: {  	s6 =	sld [smem:$0x3FB4]  }
0x2c: {  	s7 =	sld [smem:$0x3FB5]  }
0x2d: {  	s3 =	simm.s32 $0x108;
	s8 =	sld [smem:$0x3FB6]  }
0x2e: {  	s3 =	simm.s32 @!p0 $0x1082;
	s9 =	sld [smem:$0x3FB7]  }
0x2f: {  	lr =	sadd.s32 s0, s3;
	s0 =	sld [smem:$0x3FAE]  }
0x30: {  	s3 =	sld [smem:$0x3FB1]  }
0x31: {  	[smem:$0x3FBA] =	sst s10  }
0x32: {  	s10 =	sld [smem:$0x3FB8];
	_ =	sdelay $0x3  }
0x33: {  	p0 =	seq.s32 s10, $0x1;
	s10 =	sld [smem:$0x3FBA];
	_ =	sdelay $0x3  }
0x34: {  	[smem:$0x3FBA] =	sst s10  }
0x35: {  	s10 =	sld [smem:$0x3FB9];
	_ =	sdelay $0x3  }
0x36: {  	p1 =	seq.s32 s10, $0x1;
	s10 =	sld [smem:$0x3FBA];
	_ =	sdelay $0x3  }
0x37: {  	[smem:$0x3FBA] =	sst s10  }
0x38: {  	s10 =	sld [smem:$0x3FBB]  }
0x39: {  	_ = 	snop;
	(pc) =	sbr.ind lr, $3  }
0x3a: {  	_ = 	snop  }
0x3b: {  	_ = 	snop  }
0x3c: {  	p2 =	seq.s32 s10, $0x1;
	s10 =	sld [smem:$0x3FBA]  }
0x3d: {  	_ =	shalt  }
0x3e: {  	_ =	shalt  }
0x3f: {  	_ =	shalt  }
0x40: {  	_ =	shalt  }
0x41: {  	_ =	shalt  }
0x42: {  	_ =	shalt  }
0x43: {  	_ =	shalt  }
0x44: {  	_ =	shalt  }
0x45: {  	_ =	shalt  }
0x46: {  	_ =	shalt  }
0x47: {  	_ =	shalt  }
0x48: {  	_ =	shalt  }
0x49: {  	_ =	shalt  }
0x4a: {  	_ =	shalt  }
0x4b: {  	_ =	shalt  }
0x4c: {  	_ =	shalt  }
0x4d: {  	_ =	shalt  }
0x4e: {  	_ =	shalt  }
0x4f: {  	_ =	shalt  }
0x50: {  	_ =	shalt  }
0x51: {  	_ =	shalt  }
0x52: {  	_ =	shalt  }
0x53: {  	_ =	shalt  }
0x54: {  	_ =	shalt  }
0x55: {  	_ =	shalt  }
0x56: {  	_ =	shalt  }
0x57: {  	_ =	shalt  }
0x58: {  	_ =	shalt  }
0x59: {  	_ =	shalt  }
0x5a: {  	_ =	shalt  }
0x5b: {  	_ =	shalt  }
0x5c: {  	_ =	shalt  }
0x5d: {  	_ =	shalt  }
0x5e: {  	_ =	shalt  }
0x5f: {  	_ =	shalt  }
0x60: {  	_ =	shalt  }
0x61: {  	_ =	shalt  }
0x62: {  	_ =	shalt  }
0x63: {  	_ =	shalt  }
0x64: {  	_ =	shalt  }
0x65: {  	_ =	shalt  }
0x66: {  	_ =	shalt  }
0x67: {  	_ =	shalt  }
0x68: {  	_ =	shalt  }
0x69: {  	_ =	shalt  }
0x6a: {  	_ =	shalt  }
0x6b: {  	_ =	shalt  }
0x6c: {  	_ =	shalt  }
0x6d: {  	_ =	shalt  }
0x6e: {  	_ =	shalt  }
0x6f: {  	_ =	shalt  }
0x70: {  	_ =	shalt  }
0x71: {  	_ =	shalt  }
0x72: {  	_ =	shalt  }
0x73: {  	_ =	shalt  }
0x74: {  	_ =	shalt  }
0x75: {  	_ =	shalt  }
0x76: {  	_ =	shalt  }
0x77: {  	_ =	shalt  }
0x78: {  	_ =	shalt  }
0x79: {  	_ =	shalt  }
0x7a: {  	_ =	shalt  }
0x7b: {  	_ =	shalt  }
0x7c: {  	_ =	shalt  }
0x7d: {  	_ =	shalt  }
0x7e: {  	_ =	shalt  }
0x7f: {  	_ =	shalt  }
0x80: {  	_ =	shalt  }
0x81: {  	_ =	shalt  }
0x82: {  	_ =	shalt  }
0x83: {  	_ =	shalt  }
0x84: {  	_ =	shalt  }
0x85: {  	_ =	shalt  }
0x86: {  	_ =	shalt  }
0x87: {  	_ =	shalt  }
.Lfunc_end0:
.L_simem_size_0:
called_computation_lowered:
.L_overlay_start_0:
0x88: {  	s2 =	sld [smem:$0x3FD9]  }
0x89: {  	s3 =	sld [smem:$0x3FFE];
	_ =	sdelay $0x1  }
0x8a: {  	s1 =	srdreg.scid  }
0x8b: {  	s0 =	sand.u32 $0x1, s1  }
0x8c: {  	s18 =	sshll.u32 s0, $0xA;
	s2 =	sadd.s32 s3, s2  }
0x8d: {  	s2 =	sadd.s32 s2, s18  }
0x8e: {  	[smem:$0x3FC6] =	sst s2  }
0x8f: {  	_ = 	snop  }
0x90: {  	s2 =	sld [smem:$0x3FC9]  }
0x91: {  	s19 =	sld [smem:$0x3FC8]  }
0x92: {  	s4 =	sld [smem:$0x3FD0];
	(tm) =	ssettm $0x1  }
0x93: {  	s5 =	sld [smem:$0x3FFB];
	_ =	sdelay $0x3  }
0x94: {  	_ =	strace s5  }
0x95: {  	s5 =	sld [smem:$0x3FFC];
	_ =	sdelay $0x3  }
0x96: {  	_ =	strace s5  }
0x97: {  	s5 =	sld [smem:$0x3FFD];
	_ =	sdelay $0x3  }
0x98: {  	_ =	strace s5  }
0x99: {  	_ =	strace $0x8FFFFFFF  }
0x9a: {  	s20 =	sld [smem:$0x3FDB];
	_ =	sdelay $0x1  }
0x9b: {  	s6 =	simm.s32 $_scs_section_size  }
0x9c: {  	s7 =	simm.s32 $_size__tile_overlayer_lowered;
	s8 =	simm.s32 $_tile_overlayer_lowered  }
0x9d: {  	s23 =	simm.s32 $0x1BFF;
	s22 =	sshll.u32 s8, $0x1;
	s5 =	sadd.s32 s6, s20  }
0x9e: {  	s9 =	simm.s32 $0x0;
	s21 =	sshll.u32 s7, $0x1;
	s7 =	sadd.s32 s22, s5  }
0x9f: {  	[timem:s9], [sflag:s23] =	dma.local [hbm:s7], s21  }
0xa0: {  	_ =	swait.ge [sflag:s23], s21  }
0xa1: {  	s6 =	ssub.s32 $0x0, s21;
	[sflag:s23] =	ssyncset.done $0x0  }
0xa2: {  	[sflag:s23] =	ssyncadd.s32 s6;
	_ =	sdelay $0x1  }
0xa3: {  	s24 =	simm.s32 $0x1B8B  }
0xa4: {  	_ =	swait.ge [sflag:s24], $0x1  }
0xa5: {  	[sflag:s24] =	ssyncset.done $0x0  }
0xa6: {  	s25 =	simm.s32 $0x1B8E;
	[sflag:s24] =	ssyncadd.s32 $0xFFFFFFFF  }
0xa7: {  	s26 =	simm.s32 $execute0_lowered;
	[smem:$0x3FD2] =	sst s25  }
0xa8: {  	s6 =	sshll.u32 s26, $0x1;
	_ =	strace $0x80000046;
	[dreg:$0x1] =	wrdreg $0xFFFFFFFF  }
0xa9: {  	s28 =	simm.s32 $_size_execute0_lowered;
	s5 =	sadd.s32 s5, s6;
	[dreg:$0x0] =	wrdreg $0x0  }
0xaa: {  	s6 =	sshll.u32 s28, $0x1;
	[dreg:$0x2] =	wrdreg s5  }
0xab: {  	[dreg:$0x3] =	wrdreg s6  }
0xac: {  	[dreg:$0x4] =	wrdreg $0xC0  }
0xad: {  	_ =	task [dreg:s9], $0x5FFFF  }
0xae: {  	[dreg:$0x1] =	wrdreg $0xFFFFFFFF  }
0xaf: {  	[dreg:$0x0] =	wrdreg $0x60  }
0xb0: {  	[dreg:$0x2] =	wrdreg s2  }
0xb1: {  	[dreg:$0x3] =	wrdreg s19  }
0xb2: {  	[dreg:$0x4] =	wrdreg s4  }
0xb3: {  	[dreg:$0x5] =	wrdreg $0x9  }
0xb4: {  	_ =	task.clear_ibuf [dreg:s9], $0x6FFFF;
	_ =	strace $0x90000046  }
0xb5: {  	s29 =	simm.s32 $0x9;
	_ =	strace $0x80000048  }
0xb6: {  	_ =	swait.ge [sflag:s29], $0x1  }
0xb7: {  	[sflag:s29] =	ssyncadd.s32 $0xFFFFFFFF  }
0xb8: {  	_ =	strace $0x90000048  }
0xb9: {  	_ =	sfence  }
0xba: {  	s30 =	sld [smem:$0x0];
	_ =	sdelay $0x2  }
0xbb: {  	s31 =	sshll.u32 s1, $0xD;
	s1 =	sshrl.u32 s1, $0x2  }
0xbc: {  	s3 =	sand.u32 $0x4000, s31;
	s1 =	sadd.s32 s1, s30  }
0xbd: {  	s0 =	sor.u32 s3, s0;
	s1 =	sshll.u32 s1, $0x11  }
0xbe: {  	s0 =	sor.u32 s1, s0  }
0xbf: {  	s0 =	sadd.s32 $0x8F2B, s0  }
0xc0: {  	[sflag:s0] =	ssyncadd.remote.s32 $0x1  }
0xc1: {  	_ =	sfence.sel $0xFFFF  }
0xc2: {  	[dreg:$0x0] =	wrdreg $0xFFFFFFFF;
	(pc) =	sbr.abs _section_cstart, $3  }
0xc3: {  	[dreg:$0x1] =	wrdreg $0xFFFFFFFF  }
0xc4: {  	_ =	task.clear_ibuf [dreg:s9], $0x2FFFF;
	_ =	strace $0x9FFFFFFF  }
0xc5: {  	(tm) =	ssettm $0x7FFFFFFF  }
tec
execute0_lowered:
.L_overlay_start_1:
0x0: {  	(tag) =	ssettag $0x1  }
0x1: {  	s0 =	srdreg.scid  }
0x2: {  	s2 =	stileid.u32;
	s1 =	rddreg [dreg:$0x0]  }
0x3: {  	s23 =	rddreg [dreg:$0x1];
	s6 =	sand.u32 $0x1, s0;
	s22 =	sshll.u32 s2, $0x1  }
0x4: {  	s4 =	rddreg [dreg:$0x2];
	s3 =	simm.s32 $0x0;
	s0 =	sor.u32 s6, s22  }
0x5: {  	s28 =	simm.s32 $0xB00;
	s29 =	simm.s32 $0x1300;
	s5 =	smul.u32 $0x120, s0  }
0x6: {  	s30 =	simm.s32 $0x1B00;
	s31 =	simm.s32 $0x2300;
	[smem:$0x7FF] =	sst s3  }
0x7: {  	_ =	strace $0x80000047;
	s6 =	ssub.s32 $0x2, s6;
	s0 =	sshrl.u32 s5, $0x3  }
0x8: {  	s16 =	sor.u32 $0x10, s5;
	s17 =	sadd.s32 $0x20, s5;
	s18 =	sadd.s32 $0x30, s5  }
0x9: {  	s13 =	sadd.s32 $0x40, s5;
	s14 =	sadd.s32 $0x50, s5;
	s15 =	sadd.s32 $0x60, s5  }
0xa: {  	s10 =	sadd.s32 $0x70, s5;
	s11 =	sadd.s32 $0x80, s5;
	s12 =	sadd.s32 $0x90, s5  }
0xb: {  	s7 =	sadd.s32 $0xB0, s5;
	s9 =	sadd.s32 $0xC0, s5;
	s2 =	sadd.s32 s23, s0  }
0xc: {  	s8 =	smul.u32 $0x300, s0;
	s0 =	sadd.s32 $0xD0, s5;
	s19 =	sshrl.u32 s16, $0x3  }
0xd: {  	v20 =	vlaneseq.u32;
	s20 =	sshrl.u32 s17, $0x3;
	s25 =	sshrl.u32 s18, $0x3;
	s21 =	sshrl.u32 s13, $0x3  }
0xe: {  	s23 =	sshrl.u32 s15, $0x3;
	v4 =	vor.u32 s13, v20;
	s13 =	simm.s32 $0x3B00;
	s19 =	smul.u32 $0x300, s19  }
0xf: {  	v1 =	vor.u32 s16, v20;
	v6 =	vor.u32 s15, v20;
	s15 =	simm.s32 $0x6B00;
	s16 =	simm.s32 $0x7300;
	s24 =	smul.u32 $0x300, s20  }
0x10: {  	v2 =	vor.u32 s17, v20;
	v3 =	vor.u32 s18, v20;
	s17 =	simm.s32 $0x7B00;
	s18 =	simm.s32 $0x8300;
	s20 =	smul.u32 $0x300, s25  }
0x11: {  	[dreg:$0x4] =	wrdreg s2;
	s2 =	sadd.s32 $0xA0, s5;
	s26 =	smul.u32 $0x300, s21  }
0x12: {  	v5 =	vor.u32 s14, v20;
	s21 =	sshrl.u32 s14, $0x3;
	s14 =	simm.s32 $0x300;
	s8 =	sadd.s32 s4, s8  }
0x13: {  	[dreg:$0x5] =	wrdreg s8;
	s19 =	sadd.s32 s4, s19;
	s8 =	sadd.s32 s4, s24  }
0x14: {  	s20 =	sadd.s32 s4, s20;
	s22 =	sadd.s32 s4, s26;
	s24 =	sshrl.u32 s10, $0x3  }
0x15: {  	s26 =	sshrl.u32 s11, $0x3;
	[dreg:$0x8] =	wrdreg s20;
	s20 =	smul.u32 $0x300, s21  }
0x16: {  	v7 =	vor.u32 s10, v20;
	s10 =	simm.s32 $0x4B00;
	[dreg:$0x7] =	wrdreg s8;
	s8 =	smul.u32 $0x300, s23  }
0x17: {  	v8 =	vor.u32 s11, v20;
	s11 =	simm.s32 $0x5300;
	[dreg:$0x6] =	wrdreg s19;
	s25 =	smul.u32 $0x300, s24  }
0x18: {  	s19 =	sadd.s32 $0xE0, s5;
	[dreg:$0x9] =	wrdreg s22;
	s21 =	smul.u32 $0x300, s26  }
0x19: {  	v9 =	vor.u32 s12, v20;
	s22 =	sshrl.u32 s12, $0x3;
	s24 =	sshrl.u32 s2, $0x3;
	s12 =	simm.s32 $0x5B00  }
0x1a: {  	v10 =	vor.u32 s2, v20;
	s2 =	simm.s32 $0xC300;
	s22 =	smul.u32 $0x300, s22;
	s20 =	sadd.s32 s4, s20  }
0x1b: {  	s26 =	smul.u32 $0x300, s24;
	s8 =	sadd.s32 s4, s8;
	[dreg:$0xa] =	wrdreg s20  }
0x1c: {  	s23 =	sadd.s32 s4, s21;
	s21 =	sadd.s32 $0xF0, s5;
	[dreg:$0xb] =	wrdreg s8  }
0x1d: {  	s20 =	sadd.s32 s4, s25;
	[dreg:$0xd] =	wrdreg s23;
	s25 =	sadd.s32 s4, s22  }
0x1e: {  	v12 =	vor.u32 s9, v20;
	s22 =	sshrl.u32 s7, $0x3;
	s23 =	sshrl.u32 s9, $0x3;
	s9 =	simm.s32 $0x4300  }
0x1f: {  	v11 =	vor.u32 s7, v20;
	s7 =	simm.s32 $0x9300;
	[dreg:$0xc] =	wrdreg s20;
	s8 =	smul.u32 $0x300, s22  }
0x20: {  	[dreg:$0xe] =	wrdreg s25;
	s20 =	sadd.s32 s4, s26;
	s24 =	smul.u32 $0x300, s23  }
0x21: {  	s23 =	sshrl.u32 s0, $0x3;
	s22 =	sadd.s32 $0x100, s5;
	s26 =	sshrl.u32 s19, $0x3  }
0x22: {  	[dreg:$0xf] =	wrdreg s20;
	s23 =	smul.u32 $0x300, s23;
	s8 =	sadd.s32 s4, s8  }
0x23: {  	s20 =	smul.u32 $0x300, s26;
	s25 =	sadd.s32 s4, s24;
	[dreg:$0x10] =	wrdreg s8  }
0x24: {  	vm0 =	vmmov $0xffff;
	v14 =	vor.u32 s19, v20;
	s19 =	simm.s32 $0x8B00;
	[dreg:$0x11] =	wrdreg s25;
	s24 =	sadd.s32 s4, s23  }
0x25: {  	v18 =	vand.u32 $0x7, v20;
	v19 =	vshrl.u32 v20, $0x3;
	v0 =	vor.u32 s5, v20;
	s23 =	sadd.s32 $0x110, s5;
	s25 =	sshrl.u32 s21, $0x3;
	s20 =	sadd.s32 s4, s20  }
0x26: {  	v19 =	vmul.u32 $0x8, v19;
	v0 =	vand.u32 $0x2F, v0;
	v15 =	vor.u32 s21, v20;
	s5 =	sadd.s32 $0x200, s1;
	s21 =	simm.s32 $0x1;
	[dreg:$0x12] =	wrdreg s24  }
0x27: {  	v13 =	vor.u32 s0, v20;
	v1 =	vand.u32 $0x3F, v1;
	v2 =	vand.u32 $0x2F, v2;
	s8 =	smul.u32 $0x300, s25;
	s24 =	sshrl.u32 s22, $0x3;
	[dreg:$0x13] =	wrdreg s20  }
0x28: {  	v3 =	vand.u32 $0x3F, v3;
	v4 =	vand.u32 $0x2F, v4;
	v16 =	vor.u32 s22, v20;
	s25 =	sshrl.u32 s23, $0x3;
	s22 =	simm.s32 $0x2;
	s26 =	smul.u32 $0x300, s24  }
0x29: {  	v5 =	vand.u32 $0x3F, v5;
	v6 =	vand.u32 $0x2F, v6;
	v17 =	vor.u32 s23, v20;
	s23 =	simm.s32 $0x3;
	s24 =	smul.u32 $0x300, s25;
	s25 =	sshrl.u32 s6, $0x1  }
0x2a: {  	v7 =	vand.u32 $0x3F, v7;
	v8 =	vand.u32 $0x2F, v8;
	v9 =	vand.u32 $0x3F, v9;
	s20 =	simm.s32 $0x3300;
	s8 =	sadd.s32 s4, s8;
	s6 =	ssub.s32 s6, s25  }
0x2b: {  	v11 =	vand.u32 $0x3F, v11;
	v12 =	vand.u32 $0x2F, v12;
	v13 =	vand.u32 $0x3F, v13;
	[dreg:$0x14] =	wrdreg s8;
	s26 =	sadd.s32 s4, s26;
	s6 =	smax.u32 s6, $0x1  }
0x2c: {  	v10 =	vand.u32 $0x2F, v10;
	v14 =	vand.u32 $0x2F, v14;
	v15 =	vand.u32 $0x3F, v15;
	[dreg:$0x15] =	wrdreg s26;
	s26 =	sadd.s32 s4, s24;
	s4 =	sadd.s32 $0x100, s1  }
0x2d: {  	v16 =	vand.u32 $0x2F, v16;
	v20 =	vor.u32 $0x8, v20;
	v17 =	vand.u32 $0x3F, v17;
	s24 =	simm.s32 $0x4;
	[dreg:$0x16] =	wrdreg s26;
	s26 =	simm.s32 $0x6300  }
.LBB2_1:
0x2e: {  	s25 =	rddreg [dreg:$0x4];
	s8 =	simm.s32 $0x5  }
0x2f: {  	[tilespmem:s3], [sflag:$0x5] =	stream.linear.gather [hbm4b:s25+s3], $0x120, $0x38;
	[tilespmem:$0x12300] =	vst v63  }
0x30: {  	_ =	swait.ge [sflag:s8], $0x120  }
0x31: {  	[sflag:s8] =	ssyncset.done $0x0  }
0x32: {  	[sflag:s8] =	ssyncadd.s32 $0xFFFFFEE0  }
0x33: {  	v21 =	vld [tilespmem:$0x0]  }
0x34: {  	v22 =	vld [tilespmem:$0x10]  }
0x35: {  	v23 =	vld [tilespmem:$0x20]  }
0x36: {  	v24 =	vld [tilespmem:$0x30]  }
0x37: {  	v25 =	vld [tilespmem:$0x40]  }
0x38: {  	v26 =	vld [tilespmem:$0x50];
	v21 =	vshll.u32 v21, $0x6  }
0x39: {  	v27 =	vld [tilespmem:$0x60];
	v22 =	vshll.u32 v22, $0x6;
	v21 =	vor.u32 v0, v21  }
0x3a: {  	v28 =	vld [tilespmem:$0x70];
	v23 =	vshll.u32 v23, $0x6;
	v22 =	vor.u32 v1, v22;
	[tilespmem:$0x180] =	vst v21  }
0x3b: {  	v53 =	vld [tilespmem:$0x80];
	[tilespmem:$0x190] =	vst v22;
	v22 =	vor.u32 v2, v23;
	v23 =	vshll.u32 v24, $0x6  }
0x3c: {  	v54 =	vld [tilespmem:$0x90];
	[tilespmem:$0x1A0] =	vst v22;
	v22 =	vor.u32 v3, v23;
	v23 =	vshll.u32 v25, $0x6  }
0x3d: {  	v55 =	vld [tilespmem:$0xA0];
	[tilespmem:$0x1B0] =	vst v22;
	v22 =	vor.u32 v4, v23;
	v23 =	vshll.u32 v26, $0x6  }
0x3e: {  	v56 =	vld [tilespmem:$0xB0];
	[tilespmem:$0x1C0] =	vst v22;
	v22 =	vor.u32 v5, v23;
	v23 =	vshll.u32 v27, $0x6  }
0x3f: {  	v57 =	vld [tilespmem:$0xC0];
	[tilespmem:$0x1D0] =	vst v22;
	v22 =	vor.u32 v6, v23;
	v23 =	vshll.u32 v28, $0x6  }
0x40: {  	v58 =	vld [tilespmem:$0xD0];
	[tilespmem:$0x1E0] =	vst v22;
	v22 =	vor.u32 v7, v23;
	v23 =	vshll.u32 v53, $0x6  }
0x41: {  	v59 =	vld [tilespmem:$0xE0];
	v21 =	vshrl.u32 v21, $0x3;
	[tilespmem:$0x1F0] =	vst v22;
	v22 =	vor.u32 v8, v23;
	v23 =	vshll.u32 v54, $0x6  }
0x42: {  	v60 =	vld [tilespmem:$0xF0];
	v21 =	vmul.u32 $0x30, v21;
	[tilespmem:$0x200] =	vst v22;
	v22 =	vor.u32 v9, v23;
	v23 =	vshll.u32 v55, $0x6  }
0x43: {  	v61 =	vld [tilespmem:$0x100];
	[tilespmem:$0x210] =	vst v22;
	v22 =	vor.u32 v10, v23;
	v23 =	vshll.u32 v56, $0x6  }
0x44: {  	v62 =	vld [tilespmem:$0x110];
	v21 =	vor.u32 v18, v21;
	[tilespmem:$0x220] =	vst v22;
	v22 =	vor.u32 v11, v23;
	v23 =	vshll.u32 v57, $0x6  }
0x45: {  	v63 =	vperm.xlane v21, v18;
	[tilespmem:$0x230] =	vst v22;
	v22 =	vor.u32 v12, v23;
	v23 =	vshll.u32 v58, $0x6  }
0x46: {  	[tilespmem:$0x240] =	vst v22;
	v22 =	vor.u32 v13, v23;
	v23 =	vshll.u32 v59, $0x6  }
0x47: {  	v24 =	vadd.s32 v19, v63;
	[tilespmem:$0x250] =	vst v22;
	v22 =	vor.u32 v14, v23;
	v23 =	vshll.u32 v60, $0x6  }
0x48: {  	[tilespmem:$0x260] =	vst v22;
	v22 =	vor.u32 v15, v23;
	v23 =	vshll.u32 v61, $0x6  }
0x49: {  	[tilespmem:$0x270] =	vst v22;
	v22 =	vor.u32 v16, v23;
	v23 =	vshll.u32 v62, $0x6  }
0x4a: {  	[tilespmem:$0x280] =	vst v22;
	v22 =	vor.u32 v17, v23  }
0x4b: {  	v21 =	vperm.xlane v21, v20;
	[tilespmem:$0x290] =	vst v22  }
0x4c: {  	[tilespmem:s14], [sflag:$0x1] =	stream.indirect_vreg.gather [hbm4b:s1+s3], $0x80, v24, vm0, $0xb8;
	[tilespmem:$0x12300] =	vst v63  }
0x4d: {  	v21 =	vadd.s32 v19, v21  }
0x4e: {  	[tilespmem:s28], [sflag:$0x1] =	stream.indirect_vreg.gather [hbm4b:s4+s3], $0x80, v24, vm0, $0xb8;
	[tilespmem:$0x12300] =	vst v63  }
0x4f: {  	_ = 	snop  }
0x50: {  	[tilespmem:s29], [sflag:$0x1] =	stream.indirect_vreg.gather [hbm4b:s5+s3], $0x80, v24, vm0, $0xb8;
	[tilespmem:$0x12300] =	vst v63  }
0x51: {  	_ = 	snop  }
0x52: {  	[tilespmem:s30], [sflag:$0x1] =	stream.indirect_vreg.gather [hbm4b:s1+s3], $0x80, v21, vm0, $0xb8;
	[tilespmem:$0x12300] =	vst v63  }
0x53: {  	_ = 	snop  }
0x54: {  	[tilespmem:s31], [sflag:$0x1] =	stream.indirect_vreg.gather [hbm4b:s4+s3], $0x80, v21, vm0, $0xb8;
	[tilespmem:$0x12300] =	vst v63  }
0x55: {  	s8 =	simm.s32 $0x2B00  }
0x56: {  	[tilespmem:s8], [sflag:$0x1] =	stream.indirect_vreg.gather [hbm4b:s5+s3], $0x80, v21, vm0, $0xb8;
	[tilespmem:$0x12300] =	vst v63  }
0x57: {  	v21 =	vld [tilespmem:$0x190];
	_ =	sdelay $0x4  }
0x58: {  	v22 =	vshrl.u32 v21, $0x3  }
0x59: {  	v22 =	vmul.u32 $0x30, v22  }
0x5a: {  	v21 =	vand.u32 $0x7, v21  }
0x5b: {  	v21 =	vor.u32 v21, v22  }
0x5c: {  	v22 =	vperm.xlane v21, v18;
	_ =	sdelay $0x1  }
0x5d: {  	v22 =	vadd.s32 v19, v22;
	_ =	sdelay $0x3  }
0x5e: {  	v21 =	vperm.xlane v21, v20  }
0x5f: {  	[tilespmem:s20], [sflag:$0x2] =	stream.indirect_vreg.gather [hbm4b:s1+s3], $0x80, v22, vm0, $0xb8;
	[tilespmem:$0x12300] =	vst v63  }
0x60: {  	v21 =	vadd.s32 v19, v21  }
0x61: {  	[tilespmem:s13], [sflag:$0x2] =	stream.indirect_vreg.gather [hbm4b:s4+s3], $0x80, v22, vm0, $0xb8;
	[tilespmem:$0x12300] =	vst v63  }
0x62: {  	_ = 	snop  }
0x63: {  	[tilespmem:s9], [sflag:$0x2] =	stream.indirect_vreg.gather [hbm4b:s5+s3], $0x80, v22, vm0, $0xb8;
	[tilespmem:$0x12300] =	vst v63  }
0x64: {  	_ = 	snop  }
0x65: {  	[tilespmem:s10], [sflag:$0x2] =	stream.indirect_vreg.gather [hbm4b:s1+s3], $0x80, v21, vm0, $0xb8;
	[tilespmem:$0x12300] =	vst v63  }
0x66: {  	_ = 	snop  }
0x67: {  	[tilespmem:s11], [sflag:$0x2] =	stream.indirect_vreg.gather [hbm4b:s4+s3], $0x80, v21, vm0, $0xb8;
	[tilespmem:$0x12300] =	vst v63  }
0x68: {  	_ = 	snop  }
0x69: {  	[tilespmem:s12], [sflag:$0x2] =	stream.indirect_vreg.gather [hbm4b:s5+s3], $0x80, v21, vm0, $0xb8;
	[tilespmem:$0x12300] =	vst v63  }
0x6a: {  	v21 =	vld [tilespmem:$0x1A0];
	_ =	sdelay $0x4  }
0x6b: {  	v22 =	vshrl.u32 v21, $0x3  }
0x6c: {  	v22 =	vmul.u32 $0x30, v22  }
0x6d: {  	v21 =	vand.u32 $0x7, v21  }
0x6e: {  	v21 =	vor.u32 v21, v22  }
0x6f: {  	v22 =	vperm.xlane v21, v18;
	_ =	sdelay $0x1  }
0x70: {  	v22 =	vadd.s32 v19, v22;
	_ =	sdelay $0x3  }
0x71: {  	v21 =	vperm.xlane v21, v20  }
0x72: {  	[tilespmem:s26], [sflag:$0x1] =	stream.indirect_vreg.gather [hbm4b:s1+s3], $0x80, v22, vm0, $0xb8;
	[tilespmem:$0x12300] =	vst v63  }
0x73: {  	v21 =	vadd.s32 v19, v21  }
0x74: {  	[tilespmem:s15], [sflag:$0x1] =	stream.indirect_vreg.gather [hbm4b:s4+s3], $0x80, v22, vm0, $0xb8;
	[tilespmem:$0x12300] =	vst v63  }
0x75: {  	_ = 	snop  }
0x76: {  	[tilespmem:s16], [sflag:$0x1] =	stream.indirect_vreg.gather [hbm4b:s5+s3], $0x80, v22, vm0, $0xb8;
	[tilespmem:$0x12300] =	vst v63  }
0x77: {  	_ = 	snop  }
0x78: {  	[tilespmem:s17], [sflag:$0x1] =	stream.indirect_vreg.gather [hbm4b:s1+s3], $0x80, v21, vm0, $0xb8;
	[tilespmem:$0x12300] =	vst v63  }
0x79: {  	_ = 	snop  }
0x7a: {  	[tilespmem:s18], [sflag:$0x1] =	stream.indirect_vreg.gather [hbm4b:s4+s3], $0x80, v21, vm0, $0xb8;
	[tilespmem:$0x12300] =	vst v63  }
0x7b: {  	_ = 	snop  }
0x7c: {  	[tilespmem:s19], [sflag:$0x1] =	stream.indirect_vreg.gather [hbm4b:s5+s3], $0x80, v21, vm0, $0xb8;
	[tilespmem:$0x12300] =	vst v63  }
0x7d: {  	v21 =	vld [tilespmem:$0x1B0];
	_ =	sdelay $0x4  }
0x7e: {  	v22 =	vshrl.u32 v21, $0x3  }
0x7f: {  	v22 =	vmul.u32 $0x30, v22  }
0x80: {  	v21 =	vand.u32 $0x7, v21  }
0x81: {  	v21 =	vor.u32 v21, v22  }
0x82: {  	v22 =	vperm.xlane v21, v18;
	_ =	sdelay $0x1  }
0x83: {  	v22 =	vadd.s32 v19, v22;
	_ =	sdelay $0x3  }
0x84: {  	v21 =	vperm.xlane v21, v20  }
0x85: {  	[tilespmem:s7], [sflag:$0x2] =	stream.indirect_vreg.gather [hbm4b:s1+s3], $0x80, v22, vm0, $0xb8;
	[tilespmem:$0x12300] =	vst v63  }
0x86: {  	s0 =	simm.s32 $0x9B00;
	v21 =	vadd.s32 v19, v21  }
0x87: {  	[tilespmem:s0], [sflag:$0x2] =	stream.indirect_vreg.gather [hbm4b:s4+s3], $0x80, v22, vm0, $0xb8;
	[tilespmem:$0x12300] =	vst v63  }
0x88: {  	s25 =	simm.s32 $0xA300  }
0x89: {  	[tilespmem:s25], [sflag:$0x2] =	stream.indirect_vreg.gather [hbm4b:s5+s3], $0x80, v22, vm0, $0xb8;
	[tilespmem:$0x12300] =	vst v63  }
0x8a: {  	s25 =	simm.s32 $0xAB00  }
0x8b: {  	[tilespmem:s25], [sflag:$0x2] =	stream.indirect_vreg.gather [hbm4b:s1+s3], $0x80, v21, vm0, $0xb8;
	[tilespmem:$0x12300] =	vst v63  }
0x8c: {  	s25 =	simm.s32 $0xB300  }
0x8d: {  	[tilespmem:s25], [sflag:$0x2] =	stream.indirect_vreg.gather [hbm4b:s4+s3], $0x80, v21, vm0, $0xb8;
	[tilespmem:$0x12300] =	vst v63  }
0x8e: {  	s25 =	simm.s32 $0xBB00  }
0x8f: {  	[tilespmem:s25], [sflag:$0x2] =	stream.indirect_vreg.gather [hbm4b:s5+s3], $0x80, v21, vm0, $0xb8;
	[tilespmem:$0x12300] =	vst v63  }
0x90: {  	v21 =	vld [tilespmem:$0x1C0];
	_ =	sdelay $0x4  }
0x91: {  	v22 =	vshrl.u32 v21, $0x3  }
0x92: {  	v22 =	vmul.u32 $0x30, v22  }
0x93: {  	v21 =	vand.u32 $0x7, v21  }
0x94: {  	v21 =	vor.u32 v21, v22  }
0x95: {  	v22 =	vperm.xlane v21, v18;
	_ =	sdelay $0x1  }
0x96: {  	v22 =	vadd.s32 v19, v22;
	_ =	sdelay $0x3  }
0x97: {  	v21 =	vperm.xlane v21, v20  }
0x98: {  	[tilespmem:s2], [sflag:$0x1] =	stream.indirect_vreg.gather [hbm4b:s1+s3], $0x80, v22, vm0, $0xb8;
	[tilespmem:$0x12300] =	vst v63  }
0x99: {  	s25 =	simm.s32 $0xCB00;
	v21 =	vadd.s32 v19, v21  }
0x9a: {  	[tilespmem:s25], [sflag:$0x1] =	stream.indirect_vreg.gather [hbm4b:s4+s3], $0x80, v22, vm0, $0xb8;
	[tilespmem:$0x12300] =	vst v63  }
0x9b: {  	s25 =	simm.s32 $0xD300  }
0x9c: {  	[tilespmem:s25], [sflag:$0x1] =	stream.indirect_vreg.gather [hbm4b:s5+s3], $0x80, v22, vm0, $0xb8;
	[tilespmem:$0x12300] =	vst v63  }
0x9d: {  	s25 =	simm.s32 $0xDB00  }
0x9e: {  	[tilespmem:s25], [sflag:$0x1] =	stream.indirect_vreg.gather [hbm4b:s1+s3], $0x80, v21, vm0, $0xb8;
	[tilespmem:$0x12300] =	vst v63  }
0x9f: {  	s25 =	simm.s32 $0xE300  }
0xa0: {  	[tilespmem:s25], [sflag:$0x1] =	stream.indirect_vreg.gather [hbm4b:s4+s3], $0x80, v21, vm0, $0xb8;
	[tilespmem:$0x12300] =	vst v63  }
0xa1: {  	s25 =	simm.s32 $0xEB00  }
0xa2: {  	[tilespmem:s25], [sflag:$0x1] =	stream.indirect_vreg.gather [hbm4b:s5+s3], $0x80, v21, vm0, $0xb8;
	[tilespmem:$0x12300] =	vst v63  }
0xa3: {  	v21 =	vld [tilespmem:$0x1D0];
	_ =	sdelay $0x4  }
0xa4: {  	v22 =	vshrl.u32 v21, $0x3  }
0xa5: {  	v22 =	vmul.u32 $0x30, v22  }
0xa6: {  	v21 =	vand.u32 $0x7, v21  }
0xa7: {  	v21 =	vor.u32 v21, v22  }
0xa8: {  	v22 =	vperm.xlane v21, v18;
	_ =	sdelay $0x1  }
0xa9: {  	v22 =	vadd.s32 v19, v22;
	_ =	sdelay $0x3  }
0xaa: {  	s0 =	simm.s32 $0xF300;
	v21 =	vperm.xlane v21, v20  }
0xab: {  	[tilespmem:s0], [sflag:$0x2] =	stream.indirect_vreg.gather [hbm4b:s1+s3], $0x80, v22, vm0, $0xb8;
	[tilespmem:$0x12300] =	vst v63  }
0xac: {  	s25 =	simm.s32 $0xFB00;
	v21 =	vadd.s32 v19, v21  }
0xad: {  	[tilespmem:s25], [sflag:$0x2] =	stream.indirect_vreg.gather [hbm4b:s4+s3], $0x80, v22, vm0, $0xb8;
	[tilespmem:$0x12300] =	vst v63  }
0xae: {  	s25 =	simm.s32 $0x10300  }
0xaf: {  	[tilespmem:s25], [sflag:$0x2] =	stream.indirect_vreg.gather [hbm4b:s5+s3], $0x80, v22, vm0, $0xb8;
	[tilespmem:$0x12300] =	vst v63  }
0xb0: {  	s25 =	simm.s32 $0x10B00  }
0xb1: {  	[tilespmem:s25], [sflag:$0x2] =	stream.indirect_vreg.gather [hbm4b:s1+s3], $0x80, v21, vm0, $0xb8;
	[tilespmem:$0x12300] =	vst v63  }
0xb2: {  	s25 =	simm.s32 $0x11300  }
0xb3: {  	[tilespmem:s25], [sflag:$0x2] =	stream.indirect_vreg.gather [hbm4b:s4+s3], $0x80, v21, vm0, $0xb8;
	[tilespmem:$0x12300] =	vst v63  }
0xb4: {  	s25 =	simm.s32 $0x11B00  }
0xb5: {  	[tilespmem:s25], [sflag:$0x2] =	stream.indirect_vreg.gather [hbm4b:s5+s3], $0x80, v21, vm0, $0xb8;
	[tilespmem:$0x12300] =	vst v63  }
0xb6: {  	_ =	swait.ge [sflag:s21], $0x3000  }
0xb7: {  	[sflag:s21] =	ssyncset.done $0x0  }
0xb8: {  	s25 =	rddreg [dreg:$0x5];
	[sflag:s21] =	ssyncadd.s32 $0xFFFFD000  }
0xb9: {  	[hbm4b:s25+s3] =	stream.linear.scatter [tilespmem:s14], [sflag:$0x3], $0x3000, $0x38;
	[tilespmem:$0x12300] =	vst v63  }
0xba: {  	_ =	swait.ge [sflag:s22], $0x3000  }
0xbb: {  	[sflag:s22] =	ssyncset.done $0x0  }
0xbc: {  	s25 =	rddreg [dreg:$0x6];
	[sflag:s22] =	ssyncadd.s32 $0xFFFFD000  }
0xbd: {  	[hbm4b:s25+s3] =	stream.linear.scatter [tilespmem:s20], [sflag:$0x4], $0x3000, $0x38;
	[tilespmem:$0x12300] =	vst v63  }
0xbe: {  	_ =	swait.ge [sflag:s23], $0x3000  }
0xbf: {  	[sflag:s23] =	ssyncset.done $0x0  }
0xc0: {  	[sflag:s23] =	ssyncadd.s32 $0xFFFFD000  }
0xc1: {  	v21 =	vld [tilespmem:$0x1E0];
	_ =	sdelay $0x4  }
0xc2: {  	v22 =	vshrl.u32 v21, $0x3  }
0xc3: {  	v22 =	vmul.u32 $0x30, v22  }
0xc4: {  	v21 =	vand.u32 $0x7, v21  }
0xc5: {  	v21 =	vor.u32 v21, v22  }
0xc6: {  	v22 =	vperm.xlane v21, v18;
	_ =	sdelay $0x1  }
0xc7: {  	v22 =	vadd.s32 v19, v22;
	_ =	sdelay $0x3  }
0xc8: {  	v21 =	vperm.xlane v21, v20  }
0xc9: {  	[tilespmem:s14], [sflag:$0x1] =	stream.indirect_vreg.gather [hbm4b:s1+s3], $0x80, v22, vm0, $0xb8;
	[tilespmem:$0x12300] =	vst v63  }
0xca: {  	v21 =	vadd.s32 v19, v21  }
0xcb: {  	[tilespmem:s28], [sflag:$0x1] =	stream.indirect_vreg.gather [hbm4b:s4+s3], $0x80, v22, vm0, $0xb8;
	[tilespmem:$0x12300] =	vst v63  }
0xcc: {  	_ = 	snop  }
0xcd: {  	[tilespmem:s29], [sflag:$0x1] =	stream.indirect_vreg.gather [hbm4b:s5+s3], $0x80, v22, vm0, $0xb8;
	[tilespmem:$0x12300] =	vst v63  }
0xce: {  	_ = 	snop  }
0xcf: {  	[tilespmem:s30], [sflag:$0x1] =	stream.indirect_vreg.gather [hbm4b:s1+s3], $0x80, v21, vm0, $0xb8;
	[tilespmem:$0x12300] =	vst v63  }
0xd0: {  	_ = 	snop  }
0xd1: {  	[tilespmem:s31], [sflag:$0x1] =	stream.indirect_vreg.gather [hbm4b:s4+s3], $0x80, v21, vm0, $0xb8;
	[tilespmem:$0x12300] =	vst v63  }
0xd2: {  	_ = 	snop  }
0xd3: {  	[tilespmem:s8], [sflag:$0x1] =	stream.indirect_vreg.gather [hbm4b:s5+s3], $0x80, v21, vm0, $0xb8;
	[tilespmem:$0x12300] =	vst v63  }
0xd4: {  	_ =	swait.ge [sflag:s21], $0x3000  }
0xd5: {  	[sflag:s21] =	ssyncset.done $0x0  }
0xd6: {  	s25 =	rddreg [dreg:$0x7];
	[sflag:s21] =	ssyncadd.s32 $0xFFFFD000  }
0xd7: {  	[hbm4b:s25+s3] =	stream.linear.scatter [tilespmem:s26], [sflag:$0x3], $0x3000, $0x38;
	[tilespmem:$0x12300] =	vst v63  }
0xd8: {  	_ =	swait.ge [sflag:s24], $0x3000  }
0xd9: {  	[sflag:s24] =	ssyncset.done $0x0  }
0xda: {  	[sflag:s24] =	ssyncadd.s32 $0xFFFFD000  }
0xdb: {  	v21 =	vld [tilespmem:$0x1F0];
	_ =	sdelay $0x4  }
0xdc: {  	v22 =	vshrl.u32 v21, $0x3  }
0xdd: {  	v22 =	vmul.u32 $0x30, v22  }
0xde: {  	v21 =	vand.u32 $0x7, v21  }
0xdf: {  	v21 =	vor.u32 v21, v22  }
0xe0: {  	v22 =	vperm.xlane v21, v18;
	_ =	sdelay $0x1  }
0xe1: {  	v22 =	vadd.s32 v19, v22;
	_ =	sdelay $0x3  }
0xe2: {  	v21 =	vperm.xlane v21, v20  }
0xe3: {  	[tilespmem:s20], [sflag:$0x2] =	stream.indirect_vreg.gather [hbm4b:s1+s3], $0x80, v22, vm0, $0xb8;
	[tilespmem:$0x12300] =	vst v63  }
0xe4: {  	v21 =	vadd.s32 v19, v21  }
0xe5: {  	[tilespmem:s13], [sflag:$0x2] =	stream.indirect_vreg.gather [hbm4b:s4+s3], $0x80, v22, vm0, $0xb8;
	[tilespmem:$0x12300] =	vst v63  }
0xe6: {  	_ = 	snop  }
0xe7: {  	[tilespmem:s9], [sflag:$0x2] =	stream.indirect_vreg.gather [hbm4b:s5+s3], $0x80, v22, vm0, $0xb8;
	[tilespmem:$0x12300] =	vst v63  }
0xe8: {  	_ = 	snop  }
0xe9: {  	[tilespmem:s10], [sflag:$0x2] =	stream.indirect_vreg.gather [hbm4b:s1+s3], $0x80, v21, vm0, $0xb8;
	[tilespmem:$0x12300] =	vst v63  }
0xea: {  	_ = 	snop  }
0xeb: {  	[tilespmem:s11], [sflag:$0x2] =	stream.indirect_vreg.gather [hbm4b:s4+s3], $0x80, v21, vm0, $0xb8;
	[tilespmem:$0x12300] =	vst v63  }
0xec: {  	_ = 	snop  }
0xed: {  	[tilespmem:s12], [sflag:$0x2] =	stream.indirect_vreg.gather [hbm4b:s5+s3], $0x80, v21, vm0, $0xb8;
	[tilespmem:$0x12300] =	vst v63  }
0xee: {  	_ =	swait.ge [sflag:s22], $0x3000  }
0xef: {  	[sflag:s22] =	ssyncset.done $0x0  }
0xf0: {  	s25 =	rddreg [dreg:$0x8];
	[sflag:s22] =	ssyncadd.s32 $0xFFFFD000  }
0xf1: {  	[hbm4b:s25+s3] =	stream.linear.scatter [tilespmem:s7], [sflag:$0x4], $0x3000, $0x38;
	[tilespmem:$0x12300] =	vst v63  }
0xf2: {  	_ =	swait.ge [sflag:s23], $0x3000  }
0xf3: {  	[sflag:s23] =	ssyncset.done $0x0  }
0xf4: {  	[sflag:s23] =	ssyncadd.s32 $0xFFFFD000  }
0xf5: {  	v21 =	vld [tilespmem:$0x200];
	_ =	sdelay $0x4  }
0xf6: {  	v22 =	vshrl.u32 v21, $0x3  }
0xf7: {  	v22 =	vmul.u32 $0x30, v22  }
0xf8: {  	v21 =	vand.u32 $0x7, v21  }
0xf9: {  	v21 =	vor.u32 v21, v22  }
0xfa: {  	v22 =	vperm.xlane v21, v18;
	_ =	sdelay $0x1  }
0xfb: {  	v22 =	vadd.s32 v19, v22;
	_ =	sdelay $0x3  }
0xfc: {  	v21 =	vperm.xlane v21, v20  }
0xfd: {  	[tilespmem:s26], [sflag:$0x1] =	stream.indirect_vreg.gather [hbm4b:s1+s3], $0x80, v22, vm0, $0xb8;
	[tilespmem:$0x12300] =	vst v63  }
0xfe: {  	v21 =	vadd.s32 v19, v21  }
0xff: {  	[tilespmem:s15], [sflag:$0x1] =	stream.indirect_vreg.gather [hbm4b:s4+s3], $0x80, v22, vm0, $0xb8;
	[tilespmem:$0x12300] =	vst v63  }
0x100: {  	_ = 	snop  }
0x101: {  	[tilespmem:s16], [sflag:$0x1] =	stream.indirect_vreg.gather [hbm4b:s5+s3], $0x80, v22, vm0, $0xb8;
	[tilespmem:$0x12300] =	vst v63  }
0x102: {  	_ = 	snop  }
0x103: {  	[tilespmem:s17], [sflag:$0x1] =	stream.indirect_vreg.gather [hbm4b:s1+s3], $0x80, v21, vm0, $0xb8;
	[tilespmem:$0x12300] =	vst v63  }
0x104: {  	_ = 	snop  }
0x105: {  	[tilespmem:s18], [sflag:$0x1] =	stream.indirect_vreg.gather [hbm4b:s4+s3], $0x80, v21, vm0, $0xb8;
	[tilespmem:$0x12300] =	vst v63  }
0x106: {  	_ = 	snop  }
0x107: {  	[tilespmem:s19], [sflag:$0x1] =	stream.indirect_vreg.gather [hbm4b:s5+s3], $0x80, v21, vm0, $0xb8;
	[tilespmem:$0x12300] =	vst v63  }
0x108: {  	_ =	swait.ge [sflag:s21], $0x3000  }
0x109: {  	[sflag:s21] =	ssyncset.done $0x0  }
0x10a: {  	s25 =	rddreg [dreg:$0x9];
	[sflag:s21] =	ssyncadd.s32 $0xFFFFD000  }
0x10b: {  	[hbm4b:s25+s3] =	stream.linear.scatter [tilespmem:s2], [sflag:$0x3], $0x3000, $0x38;
	[tilespmem:$0x12300] =	vst v63  }
0x10c: {  	_ =	swait.ge [sflag:s24], $0x3000  }
0x10d: {  	[sflag:s24] =	ssyncset.done $0x0  }
0x10e: {  	[sflag:s24] =	ssyncadd.s32 $0xFFFFD000  }
0x10f: {  	v21 =	vld [tilespmem:$0x210];
	_ =	sdelay $0x4  }
0x110: {  	v22 =	vshrl.u32 v21, $0x3  }
0x111: {  	v22 =	vmul.u32 $0x30, v22  }
0x112: {  	v21 =	vand.u32 $0x7, v21  }
0x113: {  	v21 =	vor.u32 v21, v22  }
0x114: {  	v22 =	vperm.xlane v21, v18;
	_ =	sdelay $0x1  }
0x115: {  	v22 =	vadd.s32 v19, v22;
	_ =	sdelay $0x3  }
0x116: {  	v21 =	vperm.xlane v21, v20  }
0x117: {  	[tilespmem:s7], [sflag:$0x2] =	stream.indirect_vreg.gather [hbm4b:s1+s3], $0x80, v22, vm0, $0xb8;
	[tilespmem:$0x12300] =	vst v63  }
0x118: {  	s25 =	simm.s32 $0x9B00;
	v21 =	vadd.s32 v19, v21  }
0x119: {  	[tilespmem:s25], [sflag:$0x2] =	stream.indirect_vreg.gather [hbm4b:s4+s3], $0x80, v22, vm0, $0xb8;
	[tilespmem:$0x12300] =	vst v63  }
0x11a: {  	s25 =	simm.s32 $0xA300  }
0x11b: {  	[tilespmem:s25], [sflag:$0x2] =	stream.indirect_vreg.gather [hbm4b:s5+s3], $0x80, v22, vm0, $0xb8;
	[tilespmem:$0x12300] =	vst v63  }
0x11c: {  	s25 =	simm.s32 $0xAB00  }
0x11d: {  	[tilespmem:s25], [sflag:$0x2] =	stream.indirect_vreg.gather [hbm4b:s1+s3], $0x80, v21, vm0, $0xb8;
	[tilespmem:$0x12300] =	vst v63  }
0x11e: {  	s25 =	simm.s32 $0xB300  }
0x11f: {  	[tilespmem:s25], [sflag:$0x2] =	stream.indirect_vreg.gather [hbm4b:s4+s3], $0x80, v21, vm0, $0xb8;
	[tilespmem:$0x12300] =	vst v63  }
0x120: {  	s25 =	simm.s32 $0xBB00  }
0x121: {  	[tilespmem:s25], [sflag:$0x2] =	stream.indirect_vreg.gather [hbm4b:s5+s3], $0x80, v21, vm0, $0xb8;
	[tilespmem:$0x12300] =	vst v63  }
0x122: {  	_ =	swait.ge [sflag:s22], $0x3000  }
0x123: {  	[sflag:s22] =	ssyncset.done $0x0  }
0x124: {  	s25 =	rddreg [dreg:$0xa];
	[sflag:s22] =	ssyncadd.s32 $0xFFFFD000  }
0x125: {  	[hbm4b:s25+s3] =	stream.linear.scatter [tilespmem:s0], [sflag:$0x4], $0x3000, $0x38;
	[tilespmem:$0x12300] =	vst v63  }
0x126: {  	_ =	swait.ge [sflag:s23], $0x3000  }
0x127: {  	[sflag:s23] =	ssyncset.done $0x0  }
0x128: {  	[sflag:s23] =	ssyncadd.s32 $0xFFFFD000  }
0x129: {  	v21 =	vld [tilespmem:$0x220];
	_ =	sdelay $0x4  }
0x12a: {  	v22 =	vshrl.u32 v21, $0x3  }
0x12b: {  	v22 =	vmul.u32 $0x30, v22  }
0x12c: {  	v21 =	vand.u32 $0x7, v21  }
0x12d: {  	v21 =	vor.u32 v21, v22  }
0x12e: {  	v22 =	vperm.xlane v21, v18;
	_ =	sdelay $0x1  }
0x12f: {  	v22 =	vadd.s32 v19, v22;
	_ =	sdelay $0x3  }
0x130: {  	v21 =	vperm.xlane v21, v20  }
0x131: {  	[tilespmem:s2], [sflag:$0x1] =	stream.indirect_vreg.gather [hbm4b:s1+s3], $0x80, v22, vm0, $0xb8;
	[tilespmem:$0x12300] =	vst v63  }
0x132: {  	s25 =	simm.s32 $0xCB00;
	v21 =	vadd.s32 v19, v21  }
0x133: {  	[tilespmem:s25], [sflag:$0x1] =	stream.indirect_vreg.gather [hbm4b:s4+s3], $0x80, v22, vm0, $0xb8;
	[tilespmem:$0x12300] =	vst v63  }
0x134: {  	s25 =	simm.s32 $0xD300  }
0x135: {  	[tilespmem:s25], [sflag:$0x1] =	stream.indirect_vreg.gather [hbm4b:s5+s3], $0x80, v22, vm0, $0xb8;
	[tilespmem:$0x12300] =	vst v63  }
0x136: {  	s25 =	simm.s32 $0xDB00  }
0x137: {  	[tilespmem:s25], [sflag:$0x1] =	stream.indirect_vreg.gather [hbm4b:s1+s3], $0x80, v21, vm0, $0xb8;
	[tilespmem:$0x12300] =	vst v63  }
0x138: {  	s25 =	simm.s32 $0xE300  }
0x139: {  	[tilespmem:s25], [sflag:$0x1] =	stream.indirect_vreg.gather [hbm4b:s4+s3], $0x80, v21, vm0, $0xb8;
	[tilespmem:$0x12300] =	vst v63  }
0x13a: {  	s25 =	simm.s32 $0xEB00  }
0x13b: {  	[tilespmem:s25], [sflag:$0x1] =	stream.indirect_vreg.gather [hbm4b:s5+s3], $0x80, v21, vm0, $0xb8;
	[tilespmem:$0x12300] =	vst v63  }
0x13c: {  	_ =	swait.ge [sflag:s21], $0x3000  }
0x13d: {  	[sflag:s21] =	ssyncset.done $0x0  }
0x13e: {  	s25 =	rddreg [dreg:$0xb];
	[sflag:s21] =	ssyncadd.s32 $0xFFFFD000  }
0x13f: {  	[hbm4b:s25+s3] =	stream.linear.scatter [tilespmem:s14], [sflag:$0x3], $0x3000, $0x38;
	[tilespmem:$0x12300] =	vst v63  }
0x140: {  	_ =	swait.ge [sflag:s24], $0x3000  }
0x141: {  	[sflag:s24] =	ssyncset.done $0x0  }
0x142: {  	[sflag:s24] =	ssyncadd.s32 $0xFFFFD000  }
0x143: {  	v21 =	vld [tilespmem:$0x230];
	_ =	sdelay $0x4  }
0x144: {  	v22 =	vshrl.u32 v21, $0x3  }
0x145: {  	v22 =	vmul.u32 $0x30, v22  }
0x146: {  	v21 =	vand.u32 $0x7, v21  }
0x147: {  	v21 =	vor.u32 v21, v22  }
0x148: {  	v22 =	vperm.xlane v21, v18;
	_ =	sdelay $0x1  }
0x149: {  	v22 =	vadd.s32 v19, v22;
	_ =	sdelay $0x3  }
0x14a: {  	v21 =	vperm.xlane v21, v20  }
0x14b: {  	[tilespmem:s0], [sflag:$0x2] =	stream.indirect_vreg.gather [hbm4b:s1+s3], $0x80, v22, vm0, $0xb8;
	[tilespmem:$0x12300] =	vst v63  }
0x14c: {  	s25 =	simm.s32 $0xFB00;
	v21 =	vadd.s32 v19, v21  }
0x14d: {  	[tilespmem:s25], [sflag:$0x2] =	stream.indirect_vreg.gather [hbm4b:s4+s3], $0x80, v22, vm0, $0xb8;
	[tilespmem:$0x12300] =	vst v63  }
0x14e: {  	s25 =	simm.s32 $0x10300  }
0x14f: {  	[tilespmem:s25], [sflag:$0x2] =	stream.indirect_vreg.gather [hbm4b:s5+s3], $0x80, v22, vm0, $0xb8;
	[tilespmem:$0x12300] =	vst v63  }
0x150: {  	s25 =	simm.s32 $0x10B00  }
0x151: {  	[tilespmem:s25], [sflag:$0x2] =	stream.indirect_vreg.gather [hbm4b:s1+s3], $0x80, v21, vm0, $0xb8;
	[tilespmem:$0x12300] =	vst v63  }
0x152: {  	s25 =	simm.s32 $0x11300  }
0x153: {  	[tilespmem:s25], [sflag:$0x2] =	stream.indirect_vreg.gather [hbm4b:s4+s3], $0x80, v21, vm0, $0xb8;
	[tilespmem:$0x12300] =	vst v63  }
0x154: {  	s25 =	simm.s32 $0x11B00  }
0x155: {  	[tilespmem:s25], [sflag:$0x2] =	stream.indirect_vreg.gather [hbm4b:s5+s3], $0x80, v21, vm0, $0xb8;
	[tilespmem:$0x12300] =	vst v63  }
0x156: {  	_ =	swait.ge [sflag:s22], $0x3000  }
0x157: {  	[sflag:s22] =	ssyncset.done $0x0  }
0x158: {  	s25 =	rddreg [dreg:$0xc];
	[sflag:s22] =	ssyncadd.s32 $0xFFFFD000  }
0x159: {  	[hbm4b:s25+s3] =	stream.linear.scatter [tilespmem:s20], [sflag:$0x4], $0x3000, $0x38;
	[tilespmem:$0x12300] =	vst v63  }
0x15a: {  	_ =	swait.ge [sflag:s23], $0x3000  }
0x15b: {  	[sflag:s23] =	ssyncset.done $0x0  }
0x15c: {  	[sflag:s23] =	ssyncadd.s32 $0xFFFFD000  }
0x15d: {  	v21 =	vld [tilespmem:$0x240];
	_ =	sdelay $0x4  }
0x15e: {  	v22 =	vshrl.u32 v21, $0x3  }
0x15f: {  	v22 =	vmul.u32 $0x30, v22  }
0x160: {  	v21 =	vand.u32 $0x7, v21  }
0x161: {  	v21 =	vor.u32 v21, v22  }
0x162: {  	v22 =	vperm.xlane v21, v18;
	_ =	sdelay $0x1  }
0x163: {  	v22 =	vadd.s32 v19, v22;
	_ =	sdelay $0x3  }
0x164: {  	v21 =	vperm.xlane v21, v20  }
0x165: {  	[tilespmem:s14], [sflag:$0x1] =	stream.indirect_vreg.gather [hbm4b:s1+s3], $0x80, v22, vm0, $0xb8;
	[tilespmem:$0x12300] =	vst v63  }
0x166: {  	v21 =	vadd.s32 v19, v21  }
0x167: {  	[tilespmem:s28], [sflag:$0x1] =	stream.indirect_vreg.gather [hbm4b:s4+s3], $0x80, v22, vm0, $0xb8;
	[tilespmem:$0x12300] =	vst v63  }
0x168: {  	_ = 	snop  }
0x169: {  	[tilespmem:s29], [sflag:$0x1] =	stream.indirect_vreg.gather [hbm4b:s5+s3], $0x80, v22, vm0, $0xb8;
	[tilespmem:$0x12300] =	vst v63  }
0x16a: {  	_ = 	snop  }
0x16b: {  	[tilespmem:s30], [sflag:$0x1] =	stream.indirect_vreg.gather [hbm4b:s1+s3], $0x80, v21, vm0, $0xb8;
	[tilespmem:$0x12300] =	vst v63  }
0x16c: {  	_ = 	snop  }
0x16d: {  	[tilespmem:s31], [sflag:$0x1] =	stream.indirect_vreg.gather [hbm4b:s4+s3], $0x80, v21, vm0, $0xb8;
	[tilespmem:$0x12300] =	vst v63  }
0x16e: {  	_ = 	snop  }
0x16f: {  	[tilespmem:s8], [sflag:$0x1] =	stream.indirect_vreg.gather [hbm4b:s5+s3], $0x80, v21, vm0, $0xb8;
	[tilespmem:$0x12300] =	vst v63  }
0x170: {  	_ =	swait.ge [sflag:s21], $0x3000  }
0x171: {  	[sflag:s21] =	ssyncset.done $0x0  }
0x172: {  	s8 =	rddreg [dreg:$0xd];
	[sflag:s21] =	ssyncadd.s32 $0xFFFFD000  }
0x173: {  	[hbm4b:s8+s3] =	stream.linear.scatter [tilespmem:s26], [sflag:$0x3], $0x3000, $0x38;
	[tilespmem:$0x12300] =	vst v63  }
0x174: {  	_ =	swait.ge [sflag:s24], $0x3000  }
0x175: {  	[sflag:s24] =	ssyncset.done $0x0  }
0x176: {  	[sflag:s24] =	ssyncadd.s32 $0xFFFFD000  }
0x177: {  	v21 =	vld [tilespmem:$0x250];
	_ =	sdelay $0x4  }
0x178: {  	v22 =	vshrl.u32 v21, $0x3  }
0x179: {  	v22 =	vmul.u32 $0x30, v22  }
0x17a: {  	v21 =	vand.u32 $0x7, v21  }
0x17b: {  	v21 =	vor.u32 v21, v22  }
0x17c: {  	v22 =	vperm.xlane v21, v18;
	_ =	sdelay $0x1  }
0x17d: {  	v22 =	vadd.s32 v19, v22;
	_ =	sdelay $0x3  }
0x17e: {  	v21 =	vperm.xlane v21, v20  }
0x17f: {  	[tilespmem:s20], [sflag:$0x2] =	stream.indirect_vreg.gather [hbm4b:s1+s3], $0x80, v22, vm0, $0xb8;
	[tilespmem:$0x12300] =	vst v63  }
0x180: {  	v21 =	vadd.s32 v19, v21  }
0x181: {  	[tilespmem:s13], [sflag:$0x2] =	stream.indirect_vreg.gather [hbm4b:s4+s3], $0x80, v22, vm0, $0xb8;
	[tilespmem:$0x12300] =	vst v63  }
0x182: {  	_ = 	snop  }
0x183: {  	[tilespmem:s9], [sflag:$0x2] =	stream.indirect_vreg.gather [hbm4b:s5+s3], $0x80, v22, vm0, $0xb8;
	[tilespmem:$0x12300] =	vst v63  }
0x184: {  	_ = 	snop  }
0x185: {  	[tilespmem:s10], [sflag:$0x2] =	stream.indirect_vreg.gather [hbm4b:s1+s3], $0x80, v21, vm0, $0xb8;
	[tilespmem:$0x12300] =	vst v63  }
0x186: {  	_ = 	snop  }
0x187: {  	[tilespmem:s11], [sflag:$0x2] =	stream.indirect_vreg.gather [hbm4b:s4+s3], $0x80, v21, vm0, $0xb8;
	[tilespmem:$0x12300] =	vst v63  }
0x188: {  	_ = 	snop  }
0x189: {  	[tilespmem:s12], [sflag:$0x2] =	stream.indirect_vreg.gather [hbm4b:s5+s3], $0x80, v21, vm0, $0xb8;
	[tilespmem:$0x12300] =	vst v63  }
0x18a: {  	_ =	swait.ge [sflag:s22], $0x3000  }
0x18b: {  	[sflag:s22] =	ssyncset.done $0x0  }
0x18c: {  	s8 =	rddreg [dreg:$0xe];
	[sflag:s22] =	ssyncadd.s32 $0xFFFFD000  }
0x18d: {  	[hbm4b:s8+s3] =	stream.linear.scatter [tilespmem:s7], [sflag:$0x4], $0x3000, $0x38;
	[tilespmem:$0x12300] =	vst v63  }
0x18e: {  	_ =	swait.ge [sflag:s23], $0x3000  }
0x18f: {  	[sflag:s23] =	ssyncset.done $0x0  }
0x190: {  	[sflag:s23] =	ssyncadd.s32 $0xFFFFD000  }
0x191: {  	v21 =	vld [tilespmem:$0x260];
	_ =	sdelay $0x4  }
0x192: {  	v22 =	vshrl.u32 v21, $0x3  }
0x193: {  	v22 =	vmul.u32 $0x30, v22  }
0x194: {  	v21 =	vand.u32 $0x7, v21  }
0x195: {  	v21 =	vor.u32 v21, v22  }
0x196: {  	v22 =	vperm.xlane v21, v18;
	_ =	sdelay $0x1  }
0x197: {  	v22 =	vadd.s32 v19, v22;
	_ =	sdelay $0x3  }
0x198: {  	v21 =	vperm.xlane v21, v20  }
0x199: {  	[tilespmem:s26], [sflag:$0x1] =	stream.indirect_vreg.gather [hbm4b:s1+s3], $0x80, v22, vm0, $0xb8;
	[tilespmem:$0x12300] =	vst v63  }
0x19a: {  	v21 =	vadd.s32 v19, v21  }
0x19b: {  	[tilespmem:s15], [sflag:$0x1] =	stream.indirect_vreg.gather [hbm4b:s4+s3], $0x80, v22, vm0, $0xb8;
	[tilespmem:$0x12300] =	vst v63  }
0x19c: {  	_ = 	snop  }
0x19d: {  	[tilespmem:s16], [sflag:$0x1] =	stream.indirect_vreg.gather [hbm4b:s5+s3], $0x80, v22, vm0, $0xb8;
	[tilespmem:$0x12300] =	vst v63  }
0x19e: {  	_ = 	snop  }
0x19f: {  	[tilespmem:s17], [sflag:$0x1] =	stream.indirect_vreg.gather [hbm4b:s1+s3], $0x80, v21, vm0, $0xb8;
	[tilespmem:$0x12300] =	vst v63  }
0x1a0: {  	_ = 	snop  }
0x1a1: {  	[tilespmem:s18], [sflag:$0x1] =	stream.indirect_vreg.gather [hbm4b:s4+s3], $0x80, v21, vm0, $0xb8;
	[tilespmem:$0x12300] =	vst v63  }
0x1a2: {  	_ = 	snop  }
0x1a3: {  	[tilespmem:s19], [sflag:$0x1] =	stream.indirect_vreg.gather [hbm4b:s5+s3], $0x80, v21, vm0, $0xb8;
	[tilespmem:$0x12300] =	vst v63  }
0x1a4: {  	_ =	swait.ge [sflag:s21], $0x3000  }
0x1a5: {  	[sflag:s21] =	ssyncset.done $0x0  }
0x1a6: {  	s8 =	rddreg [dreg:$0xf];
	[sflag:s21] =	ssyncadd.s32 $0xFFFFD000  }
0x1a7: {  	[hbm4b:s8+s3] =	stream.linear.scatter [tilespmem:s2], [sflag:$0x3], $0x3000, $0x38;
	[tilespmem:$0x12300] =	vst v63  }
0x1a8: {  	_ =	swait.ge [sflag:s24], $0x3000  }
0x1a9: {  	[sflag:s24] =	ssyncset.done $0x0  }
0x1aa: {  	[sflag:s24] =	ssyncadd.s32 $0xFFFFD000  }
0x1ab: {  	v21 =	vld [tilespmem:$0x270];
	_ =	sdelay $0x4  }
0x1ac: {  	v22 =	vshrl.u32 v21, $0x3  }
0x1ad: {  	v22 =	vmul.u32 $0x30, v22  }
0x1ae: {  	v21 =	vand.u32 $0x7, v21  }
0x1af: {  	v21 =	vor.u32 v21, v22  }
0x1b0: {  	v22 =	vperm.xlane v21, v18;
	_ =	sdelay $0x1  }
0x1b1: {  	v22 =	vadd.s32 v19, v22;
	_ =	sdelay $0x3  }
0x1b2: {  	v21 =	vperm.xlane v21, v20  }
0x1b3: {  	[tilespmem:s7], [sflag:$0x2] =	stream.indirect_vreg.gather [hbm4b:s1+s3], $0x80, v22, vm0, $0xb8;
	[tilespmem:$0x12300] =	vst v63  }
0x1b4: {  	s25 =	simm.s32 $0x9B00;
	v21 =	vadd.s32 v19, v21  }
0x1b5: {  	[tilespmem:s25], [sflag:$0x2] =	stream.indirect_vreg.gather [hbm4b:s4+s3], $0x80, v22, vm0, $0xb8;
	[tilespmem:$0x12300] =	vst v63  }
0x1b6: {  	s25 =	simm.s32 $0xA300  }
0x1b7: {  	[tilespmem:s25], [sflag:$0x2] =	stream.indirect_vreg.gather [hbm4b:s5+s3], $0x80, v22, vm0, $0xb8;
	[tilespmem:$0x12300] =	vst v63  }
0x1b8: {  	s25 =	simm.s32 $0xAB00  }
0x1b9: {  	[tilespmem:s25], [sflag:$0x2] =	stream.indirect_vreg.gather [hbm4b:s1+s3], $0x80, v21, vm0, $0xb8;
	[tilespmem:$0x12300] =	vst v63  }
0x1ba: {  	s25 =	simm.s32 $0xB300  }
0x1bb: {  	[tilespmem:s25], [sflag:$0x2] =	stream.indirect_vreg.gather [hbm4b:s4+s3], $0x80, v21, vm0, $0xb8;
	[tilespmem:$0x12300] =	vst v63  }
0x1bc: {  	s25 =	simm.s32 $0xBB00  }
0x1bd: {  	[tilespmem:s25], [sflag:$0x2] =	stream.indirect_vreg.gather [hbm4b:s5+s3], $0x80, v21, vm0, $0xb8;
	[tilespmem:$0x12300] =	vst v63  }
0x1be: {  	_ =	swait.ge [sflag:s22], $0x3000  }
0x1bf: {  	[sflag:s22] =	ssyncset.done $0x0  }
0x1c0: {  	s8 =	rddreg [dreg:$0x10];
	[sflag:s22] =	ssyncadd.s32 $0xFFFFD000  }
0x1c1: {  	[hbm4b:s8+s3] =	stream.linear.scatter [tilespmem:s0], [sflag:$0x4], $0x3000, $0x38;
	[tilespmem:$0x12300] =	vst v63  }
0x1c2: {  	_ =	swait.ge [sflag:s23], $0x3000  }
0x1c3: {  	[sflag:s23] =	ssyncset.done $0x0  }
0x1c4: {  	[sflag:s23] =	ssyncadd.s32 $0xFFFFD000  }
0x1c5: {  	v21 =	vld [tilespmem:$0x280];
	_ =	sdelay $0x4  }
0x1c6: {  	v22 =	vshrl.u32 v21, $0x3  }
0x1c7: {  	v22 =	vmul.u32 $0x30, v22  }
0x1c8: {  	v21 =	vand.u32 $0x7, v21  }
0x1c9: {  	v21 =	vor.u32 v21, v22  }
0x1ca: {  	v22 =	vperm.xlane v21, v18;
	_ =	sdelay $0x1  }
0x1cb: {  	v22 =	vadd.s32 v19, v22;
	_ =	sdelay $0x3  }
0x1cc: {  	v21 =	vperm.xlane v21, v20  }
0x1cd: {  	[tilespmem:s2], [sflag:$0x1] =	stream.indirect_vreg.gather [hbm4b:s1+s3], $0x80, v22, vm0, $0xb8;
	[tilespmem:$0x12300] =	vst v63  }
0x1ce: {  	s25 =	simm.s32 $0xCB00;
	v21 =	vadd.s32 v19, v21  }
0x1cf: {  	[tilespmem:s25], [sflag:$0x1] =	stream.indirect_vreg.gather [hbm4b:s4+s3], $0x80, v22, vm0, $0xb8;
	[tilespmem:$0x12300] =	vst v63  }
0x1d0: {  	s25 =	simm.s32 $0xD300  }
0x1d1: {  	[tilespmem:s25], [sflag:$0x1] =	stream.indirect_vreg.gather [hbm4b:s5+s3], $0x80, v22, vm0, $0xb8;
	[tilespmem:$0x12300] =	vst v63  }
0x1d2: {  	s25 =	simm.s32 $0xDB00  }
0x1d3: {  	[tilespmem:s25], [sflag:$0x1] =	stream.indirect_vreg.gather [hbm4b:s1+s3], $0x80, v21, vm0, $0xb8;
	[tilespmem:$0x12300] =	vst v63  }
0x1d4: {  	s25 =	simm.s32 $0xE300  }
0x1d5: {  	[tilespmem:s25], [sflag:$0x1] =	stream.indirect_vreg.gather [hbm4b:s4+s3], $0x80, v21, vm0, $0xb8;
	[tilespmem:$0x12300] =	vst v63  }
0x1d6: {  	s25 =	simm.s32 $0xEB00  }
0x1d7: {  	[tilespmem:s25], [sflag:$0x1] =	stream.indirect_vreg.gather [hbm4b:s5+s3], $0x80, v21, vm0, $0xb8;
	[tilespmem:$0x12300] =	vst v63  }
0x1d8: {  	_ =	swait.ge [sflag:s21], $0x3000  }
0x1d9: {  	[sflag:s21] =	ssyncset.done $0x0  }
0x1da: {  	s8 =	rddreg [dreg:$0x11];
	[sflag:s21] =	ssyncadd.s32 $0xFFFFD000  }
0x1db: {  	[hbm4b:s8+s3] =	stream.linear.scatter [tilespmem:s14], [sflag:$0x3], $0x3000, $0x38;
	[tilespmem:$0x12300] =	vst v63  }
0x1dc: {  	_ =	swait.ge [sflag:s24], $0x3000  }
0x1dd: {  	[sflag:s24] =	ssyncset.done $0x0  }
0x1de: {  	[sflag:s24] =	ssyncadd.s32 $0xFFFFD000  }
0x1df: {  	v21 =	vld [tilespmem:$0x290];
	_ =	sdelay $0x4  }
0x1e0: {  	v22 =	vshrl.u32 v21, $0x3  }
0x1e1: {  	v22 =	vmul.u32 $0x30, v22  }
0x1e2: {  	v21 =	vand.u32 $0x7, v21  }
0x1e3: {  	v21 =	vor.u32 v21, v22  }
0x1e4: {  	v22 =	vperm.xlane v21, v18;
	_ =	sdelay $0x1  }
0x1e5: {  	v22 =	vadd.s32 v19, v22;
	_ =	sdelay $0x3  }
0x1e6: {  	v21 =	vperm.xlane v21, v20  }
0x1e7: {  	[tilespmem:s0], [sflag:$0x2] =	stream.indirect_vreg.gather [hbm4b:s1+s3], $0x80, v22, vm0, $0xb8;
	[tilespmem:$0x12300] =	vst v63  }
0x1e8: {  	s25 =	simm.s32 $0xFB00;
	v21 =	vadd.s32 v19, v21  }
0x1e9: {  	[tilespmem:s25], [sflag:$0x2] =	stream.indirect_vreg.gather [hbm4b:s4+s3], $0x80, v22, vm0, $0xb8;
	[tilespmem:$0x12300] =	vst v63  }
0x1ea: {  	s25 =	simm.s32 $0x10300  }
0x1eb: {  	[tilespmem:s25], [sflag:$0x2] =	stream.indirect_vreg.gather [hbm4b:s5+s3], $0x80, v22, vm0, $0xb8;
	[tilespmem:$0x12300] =	vst v63  }
0x1ec: {  	s25 =	simm.s32 $0x10B00  }
0x1ed: {  	[tilespmem:s25], [sflag:$0x2] =	stream.indirect_vreg.gather [hbm4b:s1+s3], $0x80, v21, vm0, $0xb8;
	[tilespmem:$0x12300] =	vst v63  }
0x1ee: {  	s25 =	simm.s32 $0x11300  }
0x1ef: {  	[tilespmem:s25], [sflag:$0x2] =	stream.indirect_vreg.gather [hbm4b:s4+s3], $0x80, v21, vm0, $0xb8;
	[tilespmem:$0x12300] =	vst v63  }
0x1f0: {  	s25 =	simm.s32 $0x11B00  }
0x1f1: {  	[tilespmem:s25], [sflag:$0x2] =	stream.indirect_vreg.gather [hbm4b:s5+s3], $0x80, v21, vm0, $0xb8;
	[tilespmem:$0x12300] =	vst v63  }
0x1f2: {  	_ =	swait.ge [sflag:s22], $0x3000  }
0x1f3: {  	[sflag:s22] =	ssyncset.done $0x0  }
0x1f4: {  	s8 =	rddreg [dreg:$0x12];
	[sflag:s22] =	ssyncadd.s32 $0xFFFFD000  }
0x1f5: {  	[hbm4b:s8+s3] =	stream.linear.scatter [tilespmem:s20], [sflag:$0x4], $0x3000, $0x38;
	[tilespmem:$0x12300] =	vst v63  }
0x1f6: {  	_ =	swait.ge [sflag:s21], $0x3000  }
0x1f7: {  	[sflag:s21] =	ssyncset.done $0x0  }
0x1f8: {  	s8 =	rddreg [dreg:$0x13];
	[sflag:s21] =	ssyncadd.s32 $0xFFFFD000  }
0x1f9: {  	[hbm4b:s8+s3] =	stream.linear.scatter [tilespmem:s26], [sflag:$0x3], $0x3000, $0x38;
	[tilespmem:$0x12300] =	vst v63  }
0x1fa: {  	_ =	swait.ge [sflag:s22], $0x3000  }
0x1fb: {  	[sflag:s22] =	ssyncset.done $0x0  }
0x1fc: {  	s8 =	rddreg [dreg:$0x14];
	[sflag:s22] =	ssyncadd.s32 $0xFFFFD000  }
0x1fd: {  	[hbm4b:s8+s3] =	stream.linear.scatter [tilespmem:s7], [sflag:$0x4], $0x3000, $0x38;
	[tilespmem:$0x12300] =	vst v63  }
0x1fe: {  	_ =	swait.ge [sflag:s21], $0x3000  }
0x1ff: {  	[sflag:s21] =	ssyncset.done $0x0  }
0x200: {  	s8 =	rddreg [dreg:$0x15];
	[sflag:s21] =	ssyncadd.s32 $0xFFFFD000  }
0x201: {  	[hbm4b:s8+s3] =	stream.linear.scatter [tilespmem:s2], [sflag:$0x3], $0x3000, $0x38;
	[tilespmem:$0x12300] =	vst v63  }
0x202: {  	_ =	swait.ge [sflag:s22], $0x3000  }
0x203: {  	[sflag:s22] =	ssyncset.done $0x0  }
0x204: {  	s8 =	rddreg [dreg:$0x16];
	[sflag:s22] =	ssyncadd.s32 $0xFFFFD000  }
0x205: {  	[hbm4b:s8+s3] =	stream.linear.scatter [tilespmem:s0], [sflag:$0x4], $0x3000, $0x38;
	[tilespmem:$0x12300] =	vst v63  }
0x206: {  	_ =	swait.ge [sflag:s23], $0x3000  }
0x207: {  	[sflag:s23] =	ssyncset.done $0x0  }
0x208: {  	[sflag:s23] =	ssyncadd.s32 $0xFFFFD000  }
0x209: {  	_ =	swait.ge [sflag:s24], $0x3000  }
0x20a: {  	[sflag:s24] =	ssyncset.done $0x0  }
0x20b: {  	[sflag:s24] =	ssyncadd.s32 $0xFFFFD000  }
0x20c: {  	_ =	swait.ge [sflag:s23], $0x3000  }
0x20d: {  	[sflag:s23] =	ssyncset.done $0x0  }
0x20e: {  	[sflag:s23] =	ssyncadd.s32 $0xFFFFD000  }
0x20f: {  	_ =	swait.ge [sflag:s24], $0x3000  }
0x210: {  	[sflag:s24] =	ssyncset.done $0x0  }
0x211: {  	[sflag:s24] =	ssyncadd.s32 $0xFFFFD000  }
0x212: {  	p0 =	sne.s32 s6, $0x1;
	_ =	swait.ge [sflag:s23], $0x3000  }
.Ltmp0:
0x213: {  	[sflag:s23] =	ssyncset.done $0x0;
	(pc) =	sbr.rel @p0 .LBB2_1-.Ltmp0, $4  }
0x214: {  	[sflag:s23] =	ssyncadd.s32 $0xFFFFD000  }
0x215: {  	_ =	swait.ge [sflag:s24], $0x3000  }
0x216: {  	[sflag:s24] =	ssyncset.done $0x0  }
0x217: {  	s6 =	sadd.s32 $0xFFFFFFFF, s6;
	[sflag:s24] =	ssyncadd.s32 $0xFFFFD000  }
0x218: {  	_ =	sfence.sel $0x180000  }
0x219: {  	[bflag:$0x0] =	sbarrier.arrive $0xFFFF  }
0x21a: {  	_ =	strace $0x90000047  }
0x21b: {  	s0 =	stileid.u32;
	[bflag:$0x2] =	sbarrier.arrive $0xFFFF  }
0x21c: {  	p0 =	sne.s32 s0, $0x0;
	s0 =	rddreg [dreg:$0x3]  }
0x21d: {  	s0 =	sadd.s32 @!p0 $0x100000, s0  }
0x21e: {  	[sflag:s0] =	ssyncadd.tile.s32 @!p0 $0x1;
	_ =	shalt  }
.Lfunc_end2:
_tile_overlayer_lowered:
.L_overlay_start_2:
0x21f: {  	(tag) =	ssettag $0x2  }
0x220: {  	s0 =	rddreg [dreg:$0x0];
	s2 =	stileid.u32  }
0x221: {  	s1 =	rddreg [dreg:$0x1];
	p0 =	sne.s32 s2, $0x0  }
0x222: {  	s3 =	rddreg [dreg:$0x2];
	[bflag:$0x3] =	sbarrier.arrive $0xFFFF;
	s2 =	simm.s32 @!p0 $0x1C05  }
0x223: {  	[timem:s3], [sflag:s2] =	dma.local @!p0 [hbm:s0], s1  }
0x224: {  	s0 =	simm.s32 @!p0 $0x5  }
0x225: {  	_ =	swait.ge @!p0 [sflag:s0], s1  }
0x226: {  	s1 =	ssub.s32 @!p0 $0x0, s1;
	[sflag:s0] =	ssyncset.done @!p0 $0x0  }
0x227: {  	[sflag:s0] =	ssyncadd.s32 @!p0 s1  }
0x228: {  	[bflag:$0x3] =	sbarrier.arrive $0xFFFF  }
0x229: {  	_ =	shalt  }

</sc_bundles>
